<compile_context>
chip_gen: v7x
topology: tpu7x:2x2x1
jax: 0.10.2.dev20260603
libtpu: 0.0.44.dev20260713+nightly
codegen_flags: <defaults>
</compile_context>

<pallas_src>
import jax
import jax.numpy as jnp
from jax.experimental import pallas as pl
from jax.experimental.pallas import tpu as pltpu

B = 1024
L = 1024
VOCAB = 21
SEQ_EMB = 44
POS_EMB = 64
PSSM_D = POS_EMB - SEQ_EMB
G = 32
RG = L // G
NV = G // 2
BB = 32


def _tc_kernel(c_ref, pssm_ref, m_ref, pos_ref, out_ref):
    lane = jax.lax.broadcasted_iota(jnp.int32, (1, 1, 128), 2)
    target = jnp.where(lane < VOCAB, lane,
                       jnp.where(lane < 2 * VOCAB, lane - VOCAB, 31))
    m = m_ref[...]
    c16 = c_ref[...]
    p = pssm_ref[...]
    pos = pos_ref[...]

    for k in range(NV):
        ck = jnp.broadcast_to(c16[:, :, k:k + 1], (BB, RG, 128))
        val = jnp.where(lane < VOCAB, ck & 0xFFFF, ck >> 16)
        oh = (val == target).astype(jnp.float32)
        pk = p[:, :, 2 * PSSM_D * k:2 * PSSM_D * (k + 1)]
        pk = jnp.pad(pk, ((0, 0), (0, 0), (0, 128 - 2 * PSSM_D)))
        x = jnp.where(lane < 2 * VOCAB, oh,
                      jnp.roll(pk, 2 * VOCAB, axis=-1))
        emb = jax.lax.dot_general(
            x.reshape(BB * RG, 128), m,
            (((1,), (0,)), ((), ())),
            preferred_element_type=jnp.float32,
        ).reshape(BB, RG, 128)
        out_ref[:, :, 128 * k:128 * (k + 1)] = (
            emb + pos[None, :, 128 * k:128 * (k + 1)])


def kernel(seq, pssm, token_table, pos_table):
    seq16 = seq.astype(jnp.int16).reshape(B, L // 2, 2)
    c = jax.lax.bitcast_convert_type(seq16, jnp.int32).reshape(B, RG, NV)
    pssm_g = pssm.reshape(B, RG, G * PSSM_D)
    pos_g = pos_table.reshape(RG, G * POS_EMB)
    m = jnp.zeros((128, 128), jnp.float32)
    m = m.at[:VOCAB, :SEQ_EMB].set(token_table)
    m = m.at[VOCAB:2 * VOCAB, POS_EMB:POS_EMB + SEQ_EMB].set(token_table)
    eye = jnp.eye(PSSM_D, dtype=jnp.float32)
    m = m.at[2 * VOCAB:2 * VOCAB + PSSM_D, SEQ_EMB:POS_EMB].set(eye)
    m = m.at[2 * VOCAB + PSSM_D:2 * (VOCAB + PSSM_D),
             POS_EMB + SEQ_EMB:2 * POS_EMB].set(eye)

    grid = (B // BB,)
    out = pl.pallas_call(
        _tc_kernel,
        grid=grid,
        in_specs=[
            pl.BlockSpec((BB, RG, NV), lambda i: (i, 0, 0)),
            pl.BlockSpec((BB, RG, G * PSSM_D), lambda i: (i, 0, 0)),
            pl.BlockSpec((128, 128), lambda i: (0, 0)),
            pl.BlockSpec((RG, G * POS_EMB), lambda i: (0, 0)),
        ],
        out_specs=pl.BlockSpec((BB, RG, G * POS_EMB), lambda i: (i, 0, 0)),
        out_shape=jax.ShapeDtypeStruct((B, RG, G * POS_EMB), jnp.float32),
        compiler_params=pltpu.CompilerParams(
            dimension_semantics=("arbitrary",),
        ),
    )(c, pssm_g, m, pos_g)
    return out.reshape(B, L, POS_EMB)

# --- scband reference (transcript-rebuilt; emitter-appended) ---
"""Pipeline reference for scband-token-and-position-embedding-29094108463780 (READ-ONLY COPY).

The authoritative reference and input builder live on the scoring server;
editing this copy changes nothing except your own understanding.
"""

import jax, jax.numpy as jnp
import numpy as np

MAXLEN = 1024
VOCAB = 21
SEQ_EMB = 44
POS_EMB = 64
B = 1024
L = 1024


def get_pos_matrix(max_len, d_emb):
    pos_enc = np.array([[pos / np.power(10000, 2 * (j // 2) / d_emb) for j in range(d_emb)] if pos != 0 else np.zeros(d_emb) for pos in range(max_len)])
    pos_enc[1:, 0::2] = np.sin(pos_enc[1:, 0::2])
    pos_enc[1:, 1::2] = np.cos(pos_enc[1:, 1::2])
    return pos_enc.astype(np.float32)


def setup_inputs(seed: int = 0) -> dict:
    key = jax.random.key(seed)
    k1, k2, k3 = jax.random.split(key, 3)
    seq = jax.random.randint(k1, (B, L), 0, VOCAB, dtype=jnp.int64 if jax.config.read('jax_enable_x64') else jnp.int32)
    pssm = jax.random.normal(k2, (B, L, POS_EMB - SEQ_EMB), dtype=jnp.float32)
    # learned token embedding table (keras Embedding default: uniform init)
    token_table = jax.random.uniform(k3, (VOCAB, SEQ_EMB), dtype=jnp.float32, minval=-0.05, maxval=0.05)
    pos_table = jnp.asarray(get_pos_matrix(MAXLEN, POS_EMB))
    return {"seq": seq, "pssm": pssm, "token_table": token_table, "pos_table": pos_table}


def reference(seq, pssm, token_table, pos_table):
    maxlen = seq.shape[-1]
    positions = jnp.take(pos_table, jnp.arange(maxlen), axis=0)  # [L, POS_EMB]
    seq_emb = jnp.take(token_table, seq, axis=0)  # [B, L, SEQ_EMB]
    x = jnp.concatenate([seq_emb, pssm], axis=-1)  # [B, L, POS_EMB]
    return x + positions[None, :, :]

if __name__ == "__main__":
    import jax
    _d = setup_inputs()
    print(jax.jit(kernel)(*tuple(_d.values())))

</pallas_src>

<mosaic_0001>
module attributes {stable_mosaic.version = 14 : i64} {
  func.func @_tc_kernel(%arg0: i32, %arg1: memref<32x32x16xi32, #tpu.memory_space<vmem>>, %arg2: memref<32x32x640xf32, #tpu.memory_space<vmem>>, %arg3: memref<128x128xf32, #tpu.memory_space<vmem>>, %arg4: memref<32x2048xf32, #tpu.memory_space<vmem>>, %arg5: memref<32x32x2048xf32, #tpu.memory_space<vmem>>) attributes {dimension_semantics = [#tpu.dimension_semantics<arbitrary>], iteration_bounds = array<i64: 32>, scalar_prefetch = 0 : i64, scratch_operands = 0 : i64, tpu.core_type = #tpu.core_type<tc>, window_params = [{transform_indices = @transform_0, window_bounds = array<i64: 32, 32, 16>}, {transform_indices = @transform_1, window_bounds = array<i64: 32, 32, 640>}, {pipeline_mode = #tpu.pipeline_mode<synchronous>, transform_indices = @transform_2, window_bounds = array<i64: 128, 128>}, {pipeline_mode = #tpu.pipeline_mode<synchronous>, transform_indices = @transform_3, window_bounds = array<i64: 32, 2048>}, {transform_indices = @transform_4, window_bounds = array<i64: 32, 32, 2048>}]} {
    %iota3A = tpu.iota {dimensions = array<i32: 2>} : vector<1x1x128xi32>
    %lt3A = arith.constant 21 : i32
    %lt3A_0 = vector.broadcast %lt3A : i32 to vector<1x1x128xi32>
    %lt3A_1 = arith.cmpi slt, %iota3A, %lt3A_0 : vector<1x1x128xi32>
    %lt3A_2 = arith.constant 42 : i32
    %lt3A_3 = vector.broadcast %lt3A_2 : i32 to vector<1x1x128xi32>
    %lt3A_4 = arith.cmpi slt, %iota3A, %lt3A_3 : vector<1x1x128xi32>
    %sub3A = arith.constant 21 : i32
    %sub3A_5 = vector.broadcast %sub3A : i32 to vector<1x1x128xi32>
    %sub3A_6 = arith.subi %iota3A, %sub3A_5 : vector<1x1x128xi32>
    %jit3A = arith.constant 31 : i32
    %broadcast_in_dim3A = vector.broadcast %jit3A : i32 to vector<1x1x128xi32>
    %select_n3A = arith.select %lt3A_4, %sub3A_6, %broadcast_in_dim3A : vector<1x1x128xi1>, vector<1x1x128xi32>
    %select_n3A_7 = arith.select %lt3A_1, %iota3A, %select_n3A : vector<1x1x128xi1>, vector<1x1x128xi32>
    %get3A = arith.constant 0 : index
    %get3A_8 = arith.constant 0 : index
    %get3A_9 = vector.load %arg3[%get3A, %get3A_8] : memref<128x128xf32, #tpu.memory_space<vmem>>, vector<128x128xf32>
    %get3A_10 = arith.constant 0 : index
    %get3A_11 = arith.constant 0 : index
    %get3A_12 = arith.constant 0 : index
    %get3A_13 = vector.load %arg1[%get3A_10, %get3A_11, %get3A_12] : memref<32x32x16xi32, #tpu.memory_space<vmem>>, vector<32x32x16xi32>
    %get3A_14 = arith.constant 0 : index
    %get3A_15 = arith.constant 0 : index
    %get3A_16 = arith.constant 0 : index
    %get3A_17 = vector.load %arg2[%get3A_14, %get3A_15, %get3A_16] : memref<32x32x640xf32, #tpu.memory_space<vmem>>, vector<32x32x640xf32>
    %get3A_18 = arith.constant 0 : index
    %get3A_19 = arith.constant 0 : index
    %get3A_20 = vector.load %arg4[%get3A_18, %get3A_19] : memref<32x2048xf32, #tpu.memory_space<vmem>>, vector<32x2048xf32>
    %slice3A = vector.extract_strided_slice %get3A_13 {offsets = [0, 0, 0], sizes = [32, 32, 1], strides = [1, 1, 1]} : vector<32x32x16xi32> to vector<32x32x1xi32>
    %broadcast_in_dim3A_21 = vector.shape_cast %slice3A : vector<32x32x1xi32> to vector<32x32x1xi32>
    %broadcast_in_dim3A_22 = vector.broadcast %broadcast_in_dim3A_21 : vector<32x32x1xi32> to vector<32x32x128xi32>
    %lt3A_23 = arith.constant 21 : i32
    %lt3A_24 = vector.broadcast %lt3A_23 : i32 to vector<1x1x128xi32>
    %lt3A_25 = arith.cmpi slt, %iota3A, %lt3A_24 : vector<1x1x128xi32>
    %and3A = arith.constant 65535 : i32
    %and3A_26 = vector.broadcast %and3A : i32 to vector<32x32x128xi32>
    %and3A_27 = arith.andi %broadcast_in_dim3A_22, %and3A_26 : vector<32x32x128xi32>
    %shift_right_arithmetic3A = arith.constant 16 : i32
    %shift_right_arithmetic3A_28 = vector.broadcast %shift_right_arithmetic3A : i32 to vector<32x32x128xi32>
    %shift_right_arithmetic3A_29 = arith.shrsi %broadcast_in_dim3A_22, %shift_right_arithmetic3A_28 : vector<32x32x128xi32>
    %broadcast_in_dim3A_30 = vector.shape_cast %lt3A_25 : vector<1x1x128xi1> to vector<1x1x128xi1>
    %broadcast_in_dim3A_31 = vector.broadcast %broadcast_in_dim3A_30 : vector<1x1x128xi1> to vector<32x32x128xi1>
    %select_n3A_32 = arith.select %broadcast_in_dim3A_31, %and3A_27, %shift_right_arithmetic3A_29 : vector<32x32x128xi1>, vector<32x32x128xi32>
    %eq3A = vector.broadcast %select_n3A_7 : vector<1x1x128xi32> to vector<32x32x128xi32>
    %eq3A_33 = arith.cmpi eq, %select_n3A_32, %eq3A : vector<32x32x128xi32>
    %convert_element_type3A = arith.extui %eq3A_33 : vector<32x32x128xi1> to vector<32x32x128xi32>
    %convert_element_type3A_34 = arith.sitofp %convert_element_type3A : vector<32x32x128xi32> to vector<32x32x128xf32>
    %slice3A_35 = vector.extract_strided_slice %get3A_17 {offsets = [0, 0, 0], sizes = [32, 32, 40], strides = [1, 1, 1]} : vector<32x32x640xf32> to vector<32x32x40xf32>
    %jit3A_36 = arith.constant 0 : i32
    %convert_element_type3A_37 = arith.sitofp %jit3A_36 : i32 to f32
    %pad3A = vector.broadcast %convert_element_type3A_37 : f32 to vector<32x32x88xf32>
    %pad3A_38 = tpu.concatenate %slice3A_35, %pad3A in 2 : vector<32x32x40xf32>, vector<32x32x88xf32> -> vector<32x32x128xf32>
    %lt3A_39 = arith.constant 42 : i32
    %lt3A_40 = vector.broadcast %lt3A_39 : i32 to vector<1x1x128xi32>
    %lt3A_41 = arith.cmpi slt, %iota3A, %lt3A_40 : vector<1x1x128xi32>
    %slice3A_42 = vector.extract_strided_slice %pad3A_38 {offsets = [0, 0, 86], sizes = [32, 32, 42], strides = [1, 1, 1]} : vector<32x32x128xf32> to vector<32x32x42xf32>
    %slice3A_43 = vector.extract_strided_slice %pad3A_38 {offsets = [0, 0, 0], sizes = [32, 32, 86], strides = [1, 1, 1]} : vector<32x32x128xf32> to vector<32x32x86xf32>
    %concatenate3A = tpu.concatenate %slice3A_42, %slice3A_43 in 2 : vector<32x32x42xf32>, vector<32x32x86xf32> -> vector<32x32x128xf32>
    %broadcast_in_dim3A_44 = vector.shape_cast %lt3A_41 : vector<1x1x128xi1> to vector<1x1x128xi1>
    %broadcast_in_dim3A_45 = vector.broadcast %broadcast_in_dim3A_44 : vector<1x1x128xi1> to vector<32x32x128xi1>
    %select_n3A_46 = arith.select %broadcast_in_dim3A_45, %convert_element_type3A_34, %concatenate3A : vector<32x32x128xi1>, vector<32x32x128xf32>
    %reshape3A = vector.shape_cast %select_n3A_46 : vector<32x32x128xf32> to vector<1024x128xf32>
    %dot_general3A = arith.constant dense<0.000000e+00> : vector<1024x128xf32>
    %dot_general3A_47 = tpu.matmul %reshape3A, %get3A_9, %dot_general3A {dimension_numbers = #tpu.dot_dimension_numbers<[1], [0], [0], [1], [0, 0, 1, 1], [], []>, transpose_lhs_hint = false} : vector<1024x128xf32>, vector<128x128xf32>, vector<1024x128xf32> -> vector<1024x128xf32>
    %reshape3A_48 = vector.shape_cast %dot_general3A_47 : vector<1024x128xf32> to vector<32x32x128xf32>
    %slice3A_49 = vector.extract_strided_slice %get3A_20 {offsets = [0, 0], sizes = [32, 128], strides = [1, 1]} : vector<32x2048xf32> to vector<32x128xf32>
    %broadcast_in_dim3A_50 = vector.shape_cast %slice3A_49 : vector<32x128xf32> to vector<1x32x128xf32>
    %add3A = vector.broadcast %broadcast_in_dim3A_50 : vector<1x32x128xf32> to vector<32x32x128xf32>
    %add3A_51 = arith.addf %reshape3A_48, %add3A : vector<32x32x128xf32>
    %swap3A = arith.constant 0 : index
    %swap3A_52 = arith.constant 0 : index
    %swap3A_53 = arith.constant 0 : index
    %swap3A_54 = vector.load %arg5[%swap3A, %swap3A_52, %swap3A_53] : memref<32x32x2048xf32, #tpu.memory_space<vmem>>, vector<32x32x128xf32>
    tpu.vector_store %arg5[%swap3A, %swap3A_52, %swap3A_53], %add3A_51 {strides = array<i32>} : memref<32x32x2048xf32, #tpu.memory_space<vmem>>, vector<32x32x128xf32>,
    %slice3A_55 = vector.extract_strided_slice %get3A_13 {offsets = [0, 0, 1], sizes = [32, 32, 1], strides = [1, 1, 1]} : vector<32x32x16xi32> to vector<32x32x1xi32>
    %broadcast_in_dim3A_56 = vector.shape_cast %slice3A_55 : vector<32x32x1xi32> to vector<32x32x1xi32>
    %broadcast_in_dim3A_57 = vector.broadcast %broadcast_in_dim3A_56 : vector<32x32x1xi32> to vector<32x32x128xi32>
    %lt3A_58 = arith.constant 21 : i32
    %lt3A_59 = vector.broadcast %lt3A_58 : i32 to vector<1x1x128xi32>
    %lt3A_60 = arith.cmpi slt, %iota3A, %lt3A_59 : vector<1x1x128xi32>
    %and3A_61 = arith.constant 65535 : i32
    %and3A_62 = vector.broadcast %and3A_61 : i32 to vector<32x32x128xi32>
    %and3A_63 = arith.andi %broadcast_in_dim3A_57, %and3A_62 : vector<32x32x128xi32>
    %shift_right_arithmetic3A_64 = arith.constant 16 : i32
    %shift_right_arithmetic3A_65 = vector.broadcast %shift_right_arithmetic3A_64 : i32 to vector<32x32x128xi32>
    %shift_right_arithmetic3A_66 = arith.shrsi %broadcast_in_dim3A_57, %shift_right_arithmetic3A_65 : vector<32x32x128xi32>
    %broadcast_in_dim3A_67 = vector.shape_cast %lt3A_60 : vector<1x1x128xi1> to vector<1x1x128xi1>
    %broadcast_in_dim3A_68 = vector.broadcast %broadcast_in_dim3A_67 : vector<1x1x128xi1> to vector<32x32x128xi1>
    %select_n3A_69 = arith.select %broadcast_in_dim3A_68, %and3A_63, %shift_right_arithmetic3A_66 : vector<32x32x128xi1>, vector<32x32x128xi32>
    %eq3A_70 = vector.broadcast %select_n3A_7 : vector<1x1x128xi32> to vector<32x32x128xi32>
    %eq3A_71 = arith.cmpi eq, %select_n3A_69, %eq3A_70 : vector<32x32x128xi32>
    %convert_element_type3A_72 = arith.extui %eq3A_71 : vector<32x32x128xi1> to vector<32x32x128xi32>
    %convert_element_type3A_73 = arith.sitofp %convert_element_type3A_72 : vector<32x32x128xi32> to vector<32x32x128xf32>
    %slice3A_74 = vector.extract_strided_slice %get3A_17 {offsets = [0, 0, 40], sizes = [32, 32, 40], strides = [1, 1, 1]} : vector<32x32x640xf32> to vector<32x32x40xf32>
    %jit3A_75 = arith.constant 0 : i32
    %convert_element_type3A_76 = arith.sitofp %jit3A_75 : i32 to f32
    %pad3A_77 = vector.broadcast %convert_element_type3A_76 : f32 to vector<32x32x88xf32>
    %pad3A_78 = tpu.concatenate %slice3A_74, %pad3A_77 in 2 : vector<32x32x40xf32>, vector<32x32x88xf32> -> vector<32x32x128xf32>
    %lt3A_79 = arith.constant 42 : i32
    %lt3A_80 = vector.broadcast %lt3A_79 : i32 to vector<1x1x128xi32>
    %lt3A_81 = arith.cmpi slt, %iota3A, %lt3A_80 : vector<1x1x128xi32>
    %slice3A_82 = vector.extract_strided_slice %pad3A_78 {offsets = [0, 0, 86], sizes = [32, 32, 42], strides = [1, 1, 1]} : vector<32x32x128xf32> to vector<32x32x42xf32>
    %slice3A_83 = vector.extract_strided_slice %pad3A_78 {offsets = [0, 0, 0], sizes = [32, 32, 86], strides = [1, 1, 1]} : vector<32x32x128xf32> to vector<32x32x86xf32>
    %concatenate3A_84 = tpu.concatenate %slice3A_82, %slice3A_83 in 2 : vector<32x32x42xf32>, vector<32x32x86xf32> -> vector<32x32x128xf32>
    %broadcast_in_dim3A_85 = vector.shape_cast %lt3A_81 : vector<1x1x128xi1> to vector<1x1x128xi1>
    %broadcast_in_dim3A_86 = vector.broadcast %broadcast_in_dim3A_85 : vector<1x1x128xi1> to vector<32x32x128xi1>
    %select_n3A_87 = arith.select %broadcast_in_dim3A_86, %convert_element_type3A_73, %concatenate3A_84 : vector<32x32x128xi1>, vector<32x32x128xf32>
    %reshape3A_88 = vector.shape_cast %select_n3A_87 : vector<32x32x128xf32> to vector<1024x128xf32>
    %dot_general3A_89 = arith.constant dense<0.000000e+00> : vector<1024x128xf32>
    %dot_general3A_90 = tpu.matmul %reshape3A_88, %get3A_9, %dot_general3A_89 {dimension_numbers = #tpu.dot_dimension_numbers<[1], [0], [0], [1], [0, 0, 1, 1], [], []>, transpose_lhs_hint = false} : vector<1024x128xf32>, vector<128x128xf32>, vector<1024x128xf32> -> vector<1024x128xf32>
    %reshape3A_91 = vector.shape_cast %dot_general3A_90 : vector<1024x128xf32> to vector<32x32x128xf32>
    %slice3A_92 = vector.extract_strided_slice %get3A_20 {offsets = [0, 128], sizes = [32, 128], strides = [1, 1]} : vector<32x2048xf32> to vector<32x128xf32>
    %broadcast_in_dim3A_93 = vector.shape_cast %slice3A_92 : vector<32x128xf32> to vector<1x32x128xf32>
    %add3A_94 = vector.broadcast %broadcast_in_dim3A_93 : vector<1x32x128xf32> to vector<32x32x128xf32>
    %add3A_95 = arith.addf %reshape3A_91, %add3A_94 : vector<32x32x128xf32>
    %swap3A_96 = arith.constant 0 : index
    %swap3A_97 = arith.constant 0 : index
    %swap3A_98 = arith.constant 128 : index
    %swap3A_99 = vector.load %arg5[%swap3A_96, %swap3A_97, %swap3A_98] : memref<32x32x2048xf32, #tpu.memory_space<vmem>>, vector<32x32x128xf32>
    tpu.vector_store %arg5[%swap3A_96, %swap3A_97, %swap3A_98], %add3A_95 {strides = array<i32>} : memref<32x32x2048xf32, #tpu.memory_space<vmem>>, vector<32x32x128xf32>,
    %slice3A_100 = vector.extract_strided_slice %get3A_13 {offsets = [0, 0, 2], sizes = [32, 32, 1], strides = [1, 1, 1]} : vector<32x32x16xi32> to vector<32x32x1xi32>
    %broadcast_in_dim3A_101 = vector.shape_cast %slice3A_100 : vector<32x32x1xi32> to vector<32x32x1xi32>
    %broadcast_in_dim3A_102 = vector.broadcast %broadcast_in_dim3A_101 : vector<32x32x1xi32> to vector<32x32x128xi32>
    %lt3A_103 = arith.constant 21 : i32
    %lt3A_104 = vector.broadcast %lt3A_103 : i32 to vector<1x1x128xi32>
    %lt3A_105 = arith.cmpi slt, %iota3A, %lt3A_104 : vector<1x1x128xi32>
    %and3A_106 = arith.constant 65535 : i32
    %and3A_107 = vector.broadcast %and3A_106 : i32 to vector<32x32x128xi32>
    %and3A_108 = arith.andi %broadcast_in_dim3A_102, %and3A_107 : vector<32x32x128xi32>
    %shift_right_arithmetic3A_109 = arith.constant 16 : i32
    %shift_right_arithmetic3A_110 = vector.broadcast %shift_right_arithmetic3A_109 : i32 to vector<32x32x128xi32>
    %shift_right_arithmetic3A_111 = arith.shrsi %broadcast_in_dim3A_102, %shift_right_arithmetic3A_110 : vector<32x32x128xi32>
    %broadcast_in_dim3A_112 = vector.shape_cast %lt3A_105 : vector<1x1x128xi1> to vector<1x1x128xi1>
    %broadcast_in_dim3A_113 = vector.broadcast %broadcast_in_dim3A_112 : vector<1x1x128xi1> to vector<32x32x128xi1>
    %select_n3A_114 = arith.select %broadcast_in_dim3A_113, %and3A_108, %shift_right_arithmetic3A_111 : vector<32x32x128xi1>, vector<32x32x128xi32>
    %eq3A_115 = vector.broadcast %select_n3A_7 : vector<1x1x128xi32> to vector<32x32x128xi32>
    %eq3A_116 = arith.cmpi eq, %select_n3A_114, %eq3A_115 : vector<32x32x128xi32>
    %convert_element_type3A_117 = arith.extui %eq3A_116 : vector<32x32x128xi1> to vector<32x32x128xi32>
    %convert_element_type3A_118 = arith.sitofp %convert_element_type3A_117 : vector<32x32x128xi32> to vector<32x32x128xf32>
    %slice3A_119 = vector.extract_strided_slice %get3A_17 {offsets = [0, 0, 80], sizes = [32, 32, 40], strides = [1, 1, 1]} : vector<32x32x640xf32> to vector<32x32x40xf32>
    %jit3A_120 = arith.constant 0 : i32
    %convert_element_type3A_121 = arith.sitofp %jit3A_120 : i32 to f32
    %pad3A_122 = vector.broadcast %convert_element_type3A_121 : f32 to vector<32x32x88xf32>
    %pad3A_123 = tpu.concatenate %slice3A_119, %pad3A_122 in 2 : vector<32x32x40xf32>, vector<32x32x88xf32> -> vector<32x32x128xf32>
    %lt3A_124 = arith.constant 42 : i32
    %lt3A_125 = vector.broadcast %lt3A_124 : i32 to vector<1x1x128xi32>
    %lt3A_126 = arith.cmpi slt, %iota3A, %lt3A_125 : vector<1x1x128xi32>
    %slice3A_127 = vector.extract_strided_slice %pad3A_123 {offsets = [0, 0, 86], sizes = [32, 32, 42], strides = [1, 1, 1]} : vector<32x32x128xf32> to vector<32x32x42xf32>
    %slice3A_128 = vector.extract_strided_slice %pad3A_123 {offsets = [0, 0, 0], sizes = [32, 32, 86], strides = [1, 1, 1]} : vector<32x32x128xf32> to vector<32x32x86xf32>
    %concatenate3A_129 = tpu.concatenate %slice3A_127, %slice3A_128 in 2 : vector<32x32x42xf32>, vector<32x32x86xf32> -> vector<32x32x128xf32>
    %broadcast_in_dim3A_130 = vector.shape_cast %lt3A_126 : vector<1x1x128xi1> to vector<1x1x128xi1>
    %broadcast_in_dim3A_131 = vector.broadcast %broadcast_in_dim3A_130 : vector<1x1x128xi1> to vector<32x32x128xi1>
    %select_n3A_132 = arith.select %broadcast_in_dim3A_131, %convert_element_type3A_118, %concatenate3A_129 : vector<32x32x128xi1>, vector<32x32x128xf32>
    %reshape3A_133 = vector.shape_cast %select_n3A_132 : vector<32x32x128xf32> to vector<1024x128xf32>
    %dot_general3A_134 = arith.constant dense<0.000000e+00> : vector<1024x128xf32>
    %dot_general3A_135 = tpu.matmul %reshape3A_133, %get3A_9, %dot_general3A_134 {dimension_numbers = #tpu.dot_dimension_numbers<[1], [0], [0], [1], [0, 0, 1, 1], [], []>, transpose_lhs_hint = false} : vector<1024x128xf32>, vector<128x128xf32>, vector<1024x128xf32> -> vector<1024x128xf32>
    %reshape3A_136 = vector.shape_cast %dot_general3A_135 : vector<1024x128xf32> to vector<32x32x128xf32>
    %slice3A_137 = vector.extract_strided_slice %get3A_20 {offsets = [0, 256], sizes = [32, 128], strides = [1, 1]} : vector<32x2048xf32> to vector<32x128xf32>
    %broadcast_in_dim3A_138 = vector.shape_cast %slice3A_137 : vector<32x128xf32> to vector<1x32x128xf32>
    %add3A_139 = vector.broadcast %broadcast_in_dim3A_138 : vector<1x32x128xf32> to vector<32x32x128xf32>
    %add3A_140 = arith.addf %reshape3A_136, %add3A_139 : vector<32x32x128xf32>
    %swap3A_141 = arith.constant 0 : index
    %swap3A_142 = arith.constant 0 : index
    %swap3A_143 = arith.constant 256 : index
    %swap3A_144 = vector.load %arg5[%swap3A_141, %swap3A_142, %swap3A_143] : memref<32x32x2048xf32, #tpu.memory_space<vmem>>, vector<32x32x128xf32>
    tpu.vector_store %arg5[%swap3A_141, %swap3A_142, %swap3A_143], %add3A_140 {strides = array<i32>} : memref<32x32x2048xf32, #tpu.memory_space<vmem>>, vector<32x32x128xf32>,
    %slice3A_145 = vector.extract_strided_slice %get3A_13 {offsets = [0, 0, 3], sizes = [32, 32, 1], strides = [1, 1, 1]} : vector<32x32x16xi32> to vector<32x32x1xi32>
    %broadcast_in_dim3A_146 = vector.shape_cast %slice3A_145 : vector<32x32x1xi32> to vector<32x32x1xi32>
    %broadcast_in_dim3A_147 = vector.broadcast %broadcast_in_dim3A_146 : vector<32x32x1xi32> to vector<32x32x128xi32>
    %lt3A_148 = arith.constant 21 : i32
    %lt3A_149 = vector.broadcast %lt3A_148 : i32 to vector<1x1x128xi32>
    %lt3A_150 = arith.cmpi slt, %iota3A, %lt3A_149 : vector<1x1x128xi32>
    %and3A_151 = arith.constant 65535 : i32
    %and3A_152 = vector.broadcast %and3A_151 : i32 to vector<32x32x128xi32>
    %and3A_153 = arith.andi %broadcast_in_dim3A_147, %and3A_152 : vector<32x32x128xi32>
    %shift_right_arithmetic3A_154 = arith.constant 16 : i32
    %shift_right_arithmetic3A_155 = vector.broadcast %shift_right_arithmetic3A_154 : i32 to vector<32x32x128xi32>
    %shift_right_arithmetic3A_156 = arith.shrsi %broadcast_in_dim3A_147, %shift_right_arithmetic3A_155 : vector<32x32x128xi32>
    %broadcast_in_dim3A_157 = vector.shape_cast %lt3A_150 : vector<1x1x128xi1> to vector<1x1x128xi1>
    %broadcast_in_dim3A_158 = vector.broadcast %broadcast_in_dim3A_157 : vector<1x1x128xi1> to vector<32x32x128xi1>
    %select_n3A_159 = arith.select %broadcast_in_dim3A_158, %and3A_153, %shift_right_arithmetic3A_156 : vector<32x32x128xi1>, vector<32x32x128xi32>
    %eq3A_160 = vector.broadcast %select_n3A_7 : vector<1x1x128xi32> to vector<32x32x128xi32>
    %eq3A_161 = arith.cmpi eq, %select_n3A_159, %eq3A_160 : vector<32x32x128xi32>
    %convert_element_type3A_162 = arith.extui %eq3A_161 : vector<32x32x128xi1> to vector<32x32x128xi32>
    %convert_element_type3A_163 = arith.sitofp %convert_element_type3A_162 : vector<32x32x128xi32> to vector<32x32x128xf32>
    %slice3A_164 = vector.extract_strided_slice %get3A_17 {offsets = [0, 0, 120], sizes = [32, 32, 40], strides = [1, 1, 1]} : vector<32x32x640xf32> to vector<32x32x40xf32>
    %jit3A_165 = arith.constant 0 : i32
    %convert_element_type3A_166 = arith.sitofp %jit3A_165 : i32 to f32
    %pad3A_167 = vector.broadcast %convert_element_type3A_166 : f32 to vector<32x32x88xf32>
    %pad3A_168 = tpu.concatenate %slice3A_164, %pad3A_167 in 2 : vector<32x32x40xf32>, vector<32x32x88xf32> -> vector<32x32x128xf32>
    %lt3A_169 = arith.constant 42 : i32
    %lt3A_170 = vector.broadcast %lt3A_169 : i32 to vector<1x1x128xi32>
    %lt3A_171 = arith.cmpi slt, %iota3A, %lt3A_170 : vector<1x1x128xi32>
    %slice3A_172 = vector.extract_strided_slice %pad3A_168 {offsets = [0, 0, 86], sizes = [32, 32, 42], strides = [1, 1, 1]} : vector<32x32x128xf32> to vector<32x32x42xf32>
    %slice3A_173 = vector.extract_strided_slice %pad3A_168 {offsets = [0, 0, 0], sizes = [32, 32, 86], strides = [1, 1, 1]} : vector<32x32x128xf32> to vector<32x32x86xf32>
    %concatenate3A_174 = tpu.concatenate %slice3A_172, %slice3A_173 in 2 : vector<32x32x42xf32>, vector<32x32x86xf32> -> vector<32x32x128xf32>
    %broadcast_in_dim3A_175 = vector.shape_cast %lt3A_171 : vector<1x1x128xi1> to vector<1x1x128xi1>
    %broadcast_in_dim3A_176 = vector.broadcast %broadcast_in_dim3A_175 : vector<1x1x128xi1> to vector<32x32x128xi1>
    %select_n3A_177 = arith.select %broadcast_in_dim3A_176, %convert_element_type3A_163, %concatenate3A_174 : vector<32x32x128xi1>, vector<32x32x128xf32>
    %reshape3A_178 = vector.shape_cast %select_n3A_177 : vector<32x32x128xf32> to vector<1024x128xf32>
    %dot_general3A_179 = arith.constant dense<0.000000e+00> : vector<1024x128xf32>
    %dot_general3A_180 = tpu.matmul %reshape3A_178, %get3A_9, %dot_general3A_179 {dimension_numbers = #tpu.dot_dimension_numbers<[1], [0], [0], [1], [0, 0, 1, 1], [], []>, transpose_lhs_hint = false} : vector<1024x128xf32>, vector<128x128xf32>, vector<1024x128xf32> -> vector<1024x128xf32>
    %reshape3A_181 = vector.shape_cast %dot_general3A_180 : vector<1024x128xf32> to vector<32x32x128xf32>
    %slice3A_182 = vector.extract_strided_slice %get3A_20 {offsets = [0, 384], sizes = [32, 128], strides = [1, 1]} : vector<32x2048xf32> to vector<32x128xf32>
    %broadcast_in_dim3A_183 = vector.shape_cast %slice3A_182 : vector<32x128xf32> to vector<1x32x128xf32>
    %add3A_184 = vector.broadcast %broadcast_in_dim3A_183 : vector<1x32x128xf32> to vector<32x32x128xf32>
    %add3A_185 = arith.addf %reshape3A_181, %add3A_184 : vector<32x32x128xf32>
    %swap3A_186 = arith.constant 0 : index
    %swap3A_187 = arith.constant 0 : index
    %swap3A_188 = arith.constant 384 : index
    %swap3A_189 = vector.load %arg5[%swap3A_186, %swap3A_187, %swap3A_188] : memref<32x32x2048xf32, #tpu.memory_space<vmem>>, vector<32x32x128xf32>
    tpu.vector_store %arg5[%swap3A_186, %swap3A_187, %swap3A_188], %add3A_185 {strides = array<i32>} : memref<32x32x2048xf32, #tpu.memory_space<vmem>>, vector<32x32x128xf32>,
    %slice3A_190 = vector.extract_strided_slice %get3A_13 {offsets = [0, 0, 4], sizes = [32, 32, 1], strides = [1, 1, 1]} : vector<32x32x16xi32> to vector<32x32x1xi32>
    %broadcast_in_dim3A_191 = vector.shape_cast %slice3A_190 : vector<32x32x1xi32> to vector<32x32x1xi32>
    %broadcast_in_dim3A_192 = vector.broadcast %broadcast_in_dim3A_191 : vector<32x32x1xi32> to vector<32x32x128xi32>
    %lt3A_193 = arith.constant 21 : i32
    %lt3A_194 = vector.broadcast %lt3A_193 : i32 to vector<1x1x128xi32>
    %lt3A_195 = arith.cmpi slt, %iota3A, %lt3A_194 : vector<1x1x128xi32>
    %and3A_196 = arith.constant 65535 : i32
    %and3A_197 = vector.broadcast %and3A_196 : i32 to vector<32x32x128xi32>
    %and3A_198 = arith.andi %broadcast_in_dim3A_192, %and3A_197 : vector<32x32x128xi32>
    %shift_right_arithmetic3A_199 = arith.constant 16 : i32
    %shift_right_arithmetic3A_200 = vector.broadcast %shift_right_arithmetic3A_199 : i32 to vector<32x32x128xi32>
    %shift_right_arithmetic3A_201 = arith.shrsi %broadcast_in_dim3A_192, %shift_right_arithmetic3A_200 : vector<32x32x128xi32>
    %broadcast_in_dim3A_202 = vector.shape_cast %lt3A_195 : vector<1x1x128xi1> to vector<1x1x128xi1>
    %broadcast_in_dim3A_203 = vector.broadcast %broadcast_in_dim3A_202 : vector<1x1x128xi1> to vector<32x32x128xi1>
    %select_n3A_204 = arith.select %broadcast_in_dim3A_203, %and3A_198, %shift_right_arithmetic3A_201 : vector<32x32x128xi1>, vector<32x32x128xi32>
    %eq3A_205 = vector.broadcast %select_n3A_7 : vector<1x1x128xi32> to vector<32x32x128xi32>
    %eq3A_206 = arith.cmpi eq, %select_n3A_204, %eq3A_205 : vector<32x32x128xi32>
    %convert_element_type3A_207 = arith.extui %eq3A_206 : vector<32x32x128xi1> to vector<32x32x128xi32>
    %convert_element_type3A_208 = arith.sitofp %convert_element_type3A_207 : vector<32x32x128xi32> to vector<32x32x128xf32>
    %slice3A_209 = vector.extract_strided_slice %get3A_17 {offsets = [0, 0, 160], sizes = [32, 32, 40], strides = [1, 1, 1]} : vector<32x32x640xf32> to vector<32x32x40xf32>
    %jit3A_210 = arith.constant 0 : i32
    %convert_element_type3A_211 = arith.sitofp %jit3A_210 : i32 to f32
    %pad3A_212 = vector.broadcast %convert_element_type3A_211 : f32 to vector<32x32x88xf32>
    %pad3A_213 = tpu.concatenate %slice3A_209, %pad3A_212 in 2 : vector<32x32x40xf32>, vector<32x32x88xf32> -> vector<32x32x128xf32>
    %lt3A_214 = arith.constant 42 : i32
    %lt3A_215 = vector.broadcast %lt3A_214 : i32 to vector<1x1x128xi32>
    %lt3A_216 = arith.cmpi slt, %iota3A, %lt3A_215 : vector<1x1x128xi32>
    %slice3A_217 = vector.extract_strided_slice %pad3A_213 {offsets = [0, 0, 86], sizes = [32, 32, 42], strides = [1, 1, 1]} : vector<32x32x128xf32> to vector<32x32x42xf32>
    %slice3A_218 = vector.extract_strided_slice %pad3A_213 {offsets = [0, 0, 0], sizes = [32, 32, 86], strides = [1, 1, 1]} : vector<32x32x128xf32> to vector<32x32x86xf32>
    %concatenate3A_219 = tpu.concatenate %slice3A_217, %slice3A_218 in 2 : vector<32x32x42xf32>, vector<32x32x86xf32> -> vector<32x32x128xf32>
    %broadcast_in_dim3A_220 = vector.shape_cast %lt3A_216 : vector<1x1x128xi1> to vector<1x1x128xi1>
    %broadcast_in_dim3A_221 = vector.broadcast %broadcast_in_dim3A_220 : vector<1x1x128xi1> to vector<32x32x128xi1>
    %select_n3A_222 = arith.select %broadcast_in_dim3A_221, %convert_element_type3A_208, %concatenate3A_219 : vector<32x32x128xi1>, vector<32x32x128xf32>
    %reshape3A_223 = vector.shape_cast %select_n3A_222 : vector<32x32x128xf32> to vector<1024x128xf32>
    %dot_general3A_224 = arith.constant dense<0.000000e+00> : vector<1024x128xf32>
    %dot_general3A_225 = tpu.matmul %reshape3A_223, %get3A_9, %dot_general3A_224 {dimension_numbers = #tpu.dot_dimension_numbers<[1], [0], [0], [1], [0, 0, 1, 1], [], []>, transpose_lhs_hint = false} : vector<1024x128xf32>, vector<128x128xf32>, vector<1024x128xf32> -> vector<1024x128xf32>
    %reshape3A_226 = vector.shape_cast %dot_general3A_225 : vector<1024x128xf32> to vector<32x32x128xf32>
    %slice3A_227 = vector.extract_strided_slice %get3A_20 {offsets = [0, 512], sizes = [32, 128], strides = [1, 1]} : vector<32x2048xf32> to vector<32x128xf32>
    %broadcast_in_dim3A_228 = vector.shape_cast %slice3A_227 : vector<32x128xf32> to vector<1x32x128xf32>
    %add3A_229 = vector.broadcast %broadcast_in_dim3A_228 : vector<1x32x128xf32> to vector<32x32x128xf32>
    %add3A_230 = arith.addf %reshape3A_226, %add3A_229 : vector<32x32x128xf32>
    %swap3A_231 = arith.constant 0 : index
    %swap3A_232 = arith.constant 0 : index
    %swap3A_233 = arith.constant 512 : index
    %swap3A_234 = vector.load %arg5[%swap3A_231, %swap3A_232, %swap3A_233] : memref<32x32x2048xf32, #tpu.memory_space<vmem>>, vector<32x32x128xf32>
    tpu.vector_store %arg5[%swap3A_231, %swap3A_232, %swap3A_233], %add3A_230 {strides = array<i32>} : memref<32x32x2048xf32, #tpu.memory_space<vmem>>, vector<32x32x128xf32>,
    %slice3A_235 = vector.extract_strided_slice %get3A_13 {offsets = [0, 0, 5], sizes = [32, 32, 1], strides = [1, 1, 1]} : vector<32x32x16xi32> to vector<32x32x1xi32>
    %broadcast_in_dim3A_236 = vector.shape_cast %slice3A_235 : vector<32x32x1xi32> to vector<32x32x1xi32>
    %broadcast_in_dim3A_237 = vector.broadcast %broadcast_in_dim3A_236 : vector<32x32x1xi32> to vector<32x32x128xi32>
    %lt3A_238 = arith.constant 21 : i32
    %lt3A_239 = vector.broadcast %lt3A_238 : i32 to vector<1x1x128xi32>
    %lt3A_240 = arith.cmpi slt, %iota3A, %lt3A_239 : vector<1x1x128xi32>
    %and3A_241 = arith.constant 65535 : i32
    %and3A_242 = vector.broadcast %and3A_241 : i32 to vector<32x32x128xi32>
    %and3A_243 = arith.andi %broadcast_in_dim3A_237, %and3A_242 : vector<32x32x128xi32>
    %shift_right_arithmetic3A_244 = arith.constant 16 : i32
    %shift_right_arithmetic3A_245 = vector.broadcast %shift_right_arithmetic3A_244 : i32 to vector<32x32x128xi32>
    %shift_right_arithmetic3A_246 = arith.shrsi %broadcast_in_dim3A_237, %shift_right_arithmetic3A_245 : vector<32x32x128xi32>
    %broadcast_in_dim3A_247 = vector.shape_cast %lt3A_240 : vector<1x1x128xi1> to vector<1x1x128xi1>
    %broadcast_in_dim3A_248 = vector.broadcast %broadcast_in_dim3A_247 : vector<1x1x128xi1> to vector<32x32x128xi1>
    %select_n3A_249 = arith.select %broadcast_in_dim3A_248, %and3A_243, %shift_right_arithmetic3A_246 : vector<32x32x128xi1>, vector<32x32x128xi32>
    %eq3A_250 = vector.broadcast %select_n3A_7 : vector<1x1x128xi32> to vector<32x32x128xi32>
    %eq3A_251 = arith.cmpi eq, %select_n3A_249, %eq3A_250 : vector<32x32x128xi32>
    %convert_element_type3A_252 = arith.extui %eq3A_251 : vector<32x32x128xi1> to vector<32x32x128xi32>
    %convert_element_type3A_253 = arith.sitofp %convert_element_type3A_252 : vector<32x32x128xi32> to vector<32x32x128xf32>
    %slice3A_254 = vector.extract_strided_slice %get3A_17 {offsets = [0, 0, 200], sizes = [32, 32, 40], strides = [1, 1, 1]} : vector<32x32x640xf32> to vector<32x32x40xf32>
    %jit3A_255 = arith.constant 0 : i32
    %convert_element_type3A_256 = arith.sitofp %jit3A_255 : i32 to f32
    %pad3A_257 = vector.broadcast %convert_element_type3A_256 : f32 to vector<32x32x88xf32>
    %pad3A_258 = tpu.concatenate %slice3A_254, %pad3A_257 in 2 : vector<32x32x40xf32>, vector<32x32x88xf32> -> vector<32x32x128xf32>
    %lt3A_259 = arith.constant 42 : i32
    %lt3A_260 = vector.broadcast %lt3A_259 : i32 to vector<1x1x128xi32>
    %lt3A_261 = arith.cmpi slt, %iota3A, %lt3A_260 : vector<1x1x128xi32>
    %slice3A_262 = vector.extract_strided_slice %pad3A_258 {offsets = [0, 0, 86], sizes = [32, 32, 42], strides = [1, 1, 1]} : vector<32x32x128xf32> to vector<32x32x42xf32>
    %slice3A_263 = vector.extract_strided_slice %pad3A_258 {offsets = [0, 0, 0], sizes = [32, 32, 86], strides = [1, 1, 1]} : vector<32x32x128xf32> to vector<32x32x86xf32>
    %concatenate3A_264 = tpu.concatenate %slice3A_262, %slice3A_263 in 2 : vector<32x32x42xf32>, vector<32x32x86xf32> -> vector<32x32x128xf32>
    %broadcast_in_dim3A_265 = vector.shape_cast %lt3A_261 : vector<1x1x128xi1> to vector<1x1x128xi1>
    %broadcast_in_dim3A_266 = vector.broadcast %broadcast_in_dim3A_265 : vector<1x1x128xi1> to vector<32x32x128xi1>
    %select_n3A_267 = arith.select %broadcast_in_dim3A_266, %convert_element_type3A_253, %concatenate3A_264 : vector<32x32x128xi1>, vector<32x32x128xf32>
    %reshape3A_268 = vector.shape_cast %select_n3A_267 : vector<32x32x128xf32> to vector<1024x128xf32>
    %dot_general3A_269 = arith.constant dense<0.000000e+00> : vector<1024x128xf32>
    %dot_general3A_270 = tpu.matmul %reshape3A_268, %get3A_9, %dot_general3A_269 {dimension_numbers = #tpu.dot_dimension_numbers<[1], [0], [0], [1], [0, 0, 1, 1], [], []>, transpose_lhs_hint = false} : vector<1024x128xf32>, vector<128x128xf32>, vector<1024x128xf32> -> vector<1024x128xf32>
    %reshape3A_271 = vector.shape_cast %dot_general3A_270 : vector<1024x128xf32> to vector<32x32x128xf32>
    %slice3A_272 = vector.extract_strided_slice %get3A_20 {offsets = [0, 640], sizes = [32, 128], strides = [1, 1]} : vector<32x2048xf32> to vector<32x128xf32>
    %broadcast_in_dim3A_273 = vector.shape_cast %slice3A_272 : vector<32x128xf32> to vector<1x32x128xf32>
    %add3A_274 = vector.broadcast %broadcast_in_dim3A_273 : vector<1x32x128xf32> to vector<32x32x128xf32>
    %add3A_275 = arith.addf %reshape3A_271, %add3A_274 : vector<32x32x128xf32>
    %swap3A_276 = arith.constant 0 : index
    %swap3A_277 = arith.constant 0 : index
    %swap3A_278 = arith.constant 640 : index
    %swap3A_279 = vector.load %arg5[%swap3A_276, %swap3A_277, %swap3A_278] : memref<32x32x2048xf32, #tpu.memory_space<vmem>>, vector<32x32x128xf32>
    tpu.vector_store %arg5[%swap3A_276, %swap3A_277, %swap3A_278], %add3A_275 {strides = array<i32>} : memref<32x32x2048xf32, #tpu.memory_space<vmem>>, vector<32x32x128xf32>,
    %slice3A_280 = vector.extract_strided_slice %get3A_13 {offsets = [0, 0, 6], sizes = [32, 32, 1], strides = [1, 1, 1]} : vector<32x32x16xi32> to vector<32x32x1xi32>
    %broadcast_in_dim3A_281 = vector.shape_cast %slice3A_280 : vector<32x32x1xi32> to vector<32x32x1xi32>
    %broadcast_in_dim3A_282 = vector.broadcast %broadcast_in_dim3A_281 : vector<32x32x1xi32> to vector<32x32x128xi32>
    %lt3A_283 = arith.constant 21 : i32
    %lt3A_284 = vector.broadcast %lt3A_283 : i32 to vector<1x1x128xi32>
    %lt3A_285 = arith.cmpi slt, %iota3A, %lt3A_284 : vector<1x1x128xi32>
    %and3A_286 = arith.constant 65535 : i32
    %and3A_287 = vector.broadcast %and3A_286 : i32 to vector<32x32x128xi32>
    %and3A_288 = arith.andi %broadcast_in_dim3A_282, %and3A_287 : vector<32x32x128xi32>
    %shift_right_arithmetic3A_289 = arith.constant 16 : i32
    %shift_right_arithmetic3A_290 = vector.broadcast %shift_right_arithmetic3A_289 : i32 to vector<32x32x128xi32>
    %shift_right_arithmetic3A_291 = arith.shrsi %broadcast_in_dim3A_282, %shift_right_arithmetic3A_290 : vector<32x32x128xi32>
    %broadcast_in_dim3A_292 = vector.shape_cast %lt3A_285 : vector<1x1x128xi1> to vector<1x1x128xi1>
    %broadcast_in_dim3A_293 = vector.broadcast %broadcast_in_dim3A_292 : vector<1x1x128xi1> to vector<32x32x128xi1>
    %select_n3A_294 = arith.select %broadcast_in_dim3A_293, %and3A_288, %shift_right_arithmetic3A_291 : vector<32x32x128xi1>, vector<32x32x128xi32>
    %eq3A_295 = vector.broadcast %select_n3A_7 : vector<1x1x128xi32> to vector<32x32x128xi32>
    %eq3A_296 = arith.cmpi eq, %select_n3A_294, %eq3A_295 : vector<32x32x128xi32>
    %convert_element_type3A_297 = arith.extui %eq3A_296 : vector<32x32x128xi1> to vector<32x32x128xi32>
    %convert_element_type3A_298 = arith.sitofp %convert_element_type3A_297 : vector<32x32x128xi32> to vector<32x32x128xf32>
    %slice3A_299 = vector.extract_strided_slice %get3A_17 {offsets = [0, 0, 240], sizes = [32, 32, 40], strides = [1, 1, 1]} : vector<32x32x640xf32> to vector<32x32x40xf32>
    %jit3A_300 = arith.constant 0 : i32
    %convert_element_type3A_301 = arith.sitofp %jit3A_300 : i32 to f32
    %pad3A_302 = vector.broadcast %convert_element_type3A_301 : f32 to vector<32x32x88xf32>
    %pad3A_303 = tpu.concatenate %slice3A_299, %pad3A_302 in 2 : vector<32x32x40xf32>, vector<32x32x88xf32> -> vector<32x32x128xf32>
    %lt3A_304 = arith.constant 42 : i32
    %lt3A_305 = vector.broadcast %lt3A_304 : i32 to vector<1x1x128xi32>
    %lt3A_306 = arith.cmpi slt, %iota3A, %lt3A_305 : vector<1x1x128xi32>
    %slice3A_307 = vector.extract_strided_slice %pad3A_303 {offsets = [0, 0, 86], sizes = [32, 32, 42], strides = [1, 1, 1]} : vector<32x32x128xf32> to vector<32x32x42xf32>
    %slice3A_308 = vector.extract_strided_slice %pad3A_303 {offsets = [0, 0, 0], sizes = [32, 32, 86], strides = [1, 1, 1]} : vector<32x32x128xf32> to vector<32x32x86xf32>
    %concatenate3A_309 = tpu.concatenate %slice3A_307, %slice3A_308 in 2 : vector<32x32x42xf32>, vector<32x32x86xf32> -> vector<32x32x128xf32>
    %broadcast_in_dim3A_310 = vector.shape_cast %lt3A_306 : vector<1x1x128xi1> to vector<1x1x128xi1>
    %broadcast_in_dim3A_311 = vector.broadcast %broadcast_in_dim3A_310 : vector<1x1x128xi1> to vector<32x32x128xi1>
    %select_n3A_312 = arith.select %broadcast_in_dim3A_311, %convert_element_type3A_298, %concatenate3A_309 : vector<32x32x128xi1>, vector<32x32x128xf32>
    %reshape3A_313 = vector.shape_cast %select_n3A_312 : vector<32x32x128xf32> to vector<1024x128xf32>
    %dot_general3A_314 = arith.constant dense<0.000000e+00> : vector<1024x128xf32>
    %dot_general3A_315 = tpu.matmul %reshape3A_313, %get3A_9, %dot_general3A_314 {dimension_numbers = #tpu.dot_dimension_numbers<[1], [0], [0], [1], [0, 0, 1, 1], [], []>, transpose_lhs_hint = false} : vector<1024x128xf32>, vector<128x128xf32>, vector<1024x128xf32> -> vector<1024x128xf32>
    %reshape3A_316 = vector.shape_cast %dot_general3A_315 : vector<1024x128xf32> to vector<32x32x128xf32>
    %slice3A_317 = vector.extract_strided_slice %get3A_20 {offsets = [0, 768], sizes = [32, 128], strides = [1, 1]} : vector<32x2048xf32> to vector<32x128xf32>
    %broadcast_in_dim3A_318 = vector.shape_cast %slice3A_317 : vector<32x128xf32> to vector<1x32x128xf32>
    %add3A_319 = vector.broadcast %broadcast_in_dim3A_318 : vector<1x32x128xf32> to vector<32x32x128xf32>
    %add3A_320 = arith.addf %reshape3A_316, %add3A_319 : vector<32x32x128xf32>
    %swap3A_321 = arith.constant 0 : index
    %swap3A_322 = arith.constant 0 : index
    %swap3A_323 = arith.constant 768 : index
    %swap3A_324 = vector.load %arg5[%swap3A_321, %swap3A_322, %swap3A_323] : memref<32x32x2048xf32, #tpu.memory_space<vmem>>, vector<32x32x128xf32>
    tpu.vector_store %arg5[%swap3A_321, %swap3A_322, %swap3A_323], %add3A_320 {strides = array<i32>} : memref<32x32x2048xf32, #tpu.memory_space<vmem>>, vector<32x32x128xf32>,
    %slice3A_325 = vector.extract_strided_slice %get3A_13 {offsets = [0, 0, 7], sizes = [32, 32, 1], strides = [1, 1, 1]} : vector<32x32x16xi32> to vector<32x32x1xi32>
    %broadcast_in_dim3A_326 = vector.shape_cast %slice3A_325 : vector<32x32x1xi32> to vector<32x32x1xi32>
    %broadcast_in_dim3A_327 = vector.broadcast %broadcast_in_dim3A_326 : vector<32x32x1xi32> to vector<32x32x128xi32>
    %lt3A_328 = arith.constant 21 : i32
    %lt3A_329 = vector.broadcast %lt3A_328 : i32 to vector<1x1x128xi32>
    %lt3A_330 = arith.cmpi slt, %iota3A, %lt3A_329 : vector<1x1x128xi32>
    %and3A_331 = arith.constant 65535 : i32
    %and3A_332 = vector.broadcast %and3A_331 : i32 to vector<32x32x128xi32>
    %and3A_333 = arith.andi %broadcast_in_dim3A_327, %and3A_332 : vector<32x32x128xi32>
    %shift_right_arithmetic3A_334 = arith.constant 16 : i32
    %shift_right_arithmetic3A_335 = vector.broadcast %shift_right_arithmetic3A_334 : i32 to vector<32x32x128xi32>
    %shift_right_arithmetic3A_336 = arith.shrsi %broadcast_in_dim3A_327, %shift_right_arithmetic3A_335 : vector<32x32x128xi32>
    %broadcast_in_dim3A_337 = vector.shape_cast %lt3A_330 : vector<1x1x128xi1> to vector<1x1x128xi1>
    %broadcast_in_dim3A_338 = vector.broadcast %broadcast_in_dim3A_337 : vector<1x1x128xi1> to vector<32x32x128xi1>
    %select_n3A_339 = arith.select %broadcast_in_dim3A_338, %and3A_333, %shift_right_arithmetic3A_336 : vector<32x32x128xi1>, vector<32x32x128xi32>
    %eq3A_340 = vector.broadcast %select_n3A_7 : vector<1x1x128xi32> to vector<32x32x128xi32>
    %eq3A_341 = arith.cmpi eq, %select_n3A_339, %eq3A_340 : vector<32x32x128xi32>
    %convert_element_type3A_342 = arith.extui %eq3A_341 : vector<32x32x128xi1> to vector<32x32x128xi32>
    %convert_element_type3A_343 = arith.sitofp %convert_element_type3A_342 : vector<32x32x128xi32> to vector<32x32x128xf32>
    %slice3A_344 = vector.extract_strided_slice %get3A_17 {offsets = [0, 0, 280], sizes = [32, 32, 40], strides = [1, 1, 1]} : vector<32x32x640xf32> to vector<32x32x40xf32>
    %jit3A_345 = arith.constant 0 : i32
    %convert_element_type3A_346 = arith.sitofp %jit3A_345 : i32 to f32
    %pad3A_347 = vector.broadcast %convert_element_type3A_346 : f32 to vector<32x32x88xf32>
    %pad3A_348 = tpu.concatenate %slice3A_344, %pad3A_347 in 2 : vector<32x32x40xf32>, vector<32x32x88xf32> -> vector<32x32x128xf32>
    %lt3A_349 = arith.constant 42 : i32
    %lt3A_350 = vector.broadcast %lt3A_349 : i32 to vector<1x1x128xi32>
    %lt3A_351 = arith.cmpi slt, %iota3A, %lt3A_350 : vector<1x1x128xi32>
    %slice3A_352 = vector.extract_strided_slice %pad3A_348 {offsets = [0, 0, 86], sizes = [32, 32, 42], strides = [1, 1, 1]} : vector<32x32x128xf32> to vector<32x32x42xf32>
    %slice3A_353 = vector.extract_strided_slice %pad3A_348 {offsets = [0, 0, 0], sizes = [32, 32, 86], strides = [1, 1, 1]} : vector<32x32x128xf32> to vector<32x32x86xf32>
    %concatenate3A_354 = tpu.concatenate %slice3A_352, %slice3A_353 in 2 : vector<32x32x42xf32>, vector<32x32x86xf32> -> vector<32x32x128xf32>
    %broadcast_in_dim3A_355 = vector.shape_cast %lt3A_351 : vector<1x1x128xi1> to vector<1x1x128xi1>
    %broadcast_in_dim3A_356 = vector.broadcast %broadcast_in_dim3A_355 : vector<1x1x128xi1> to vector<32x32x128xi1>
    %select_n3A_357 = arith.select %broadcast_in_dim3A_356, %convert_element_type3A_343, %concatenate3A_354 : vector<32x32x128xi1>, vector<32x32x128xf32>
    %reshape3A_358 = vector.shape_cast %select_n3A_357 : vector<32x32x128xf32> to vector<1024x128xf32>
    %dot_general3A_359 = arith.constant dense<0.000000e+00> : vector<1024x128xf32>
    %dot_general3A_360 = tpu.matmul %reshape3A_358, %get3A_9, %dot_general3A_359 {dimension_numbers = #tpu.dot_dimension_numbers<[1], [0], [0], [1], [0, 0, 1, 1], [], []>, transpose_lhs_hint = false} : vector<1024x128xf32>, vector<128x128xf32>, vector<1024x128xf32> -> vector<1024x128xf32>
    %reshape3A_361 = vector.shape_cast %dot_general3A_360 : vector<1024x128xf32> to vector<32x32x128xf32>
    %slice3A_362 = vector.extract_strided_slice %get3A_20 {offsets = [0, 896], sizes = [32, 128], strides = [1, 1]} : vector<32x2048xf32> to vector<32x128xf32>
    %broadcast_in_dim3A_363 = vector.shape_cast %slice3A_362 : vector<32x128xf32> to vector<1x32x128xf32>
    %add3A_364 = vector.broadcast %broadcast_in_dim3A_363 : vector<1x32x128xf32> to vector<32x32x128xf32>
    %add3A_365 = arith.addf %reshape3A_361, %add3A_364 : vector<32x32x128xf32>
    %swap3A_366 = arith.constant 0 : index
    %swap3A_367 = arith.constant 0 : index
    %swap3A_368 = arith.constant 896 : index
    %swap3A_369 = vector.load %arg5[%swap3A_366, %swap3A_367, %swap3A_368] : memref<32x32x2048xf32, #tpu.memory_space<vmem>>, vector<32x32x128xf32>
    tpu.vector_store %arg5[%swap3A_366, %swap3A_367, %swap3A_368], %add3A_365 {strides = array<i32>} : memref<32x32x2048xf32, #tpu.memory_space<vmem>>, vector<32x32x128xf32>,
    %slice3A_370 = vector.extract_strided_slice %get3A_13 {offsets = [0, 0, 8], sizes = [32, 32, 1], strides = [1, 1, 1]} : vector<32x32x16xi32> to vector<32x32x1xi32>
    %broadcast_in_dim3A_371 = vector.shape_cast %slice3A_370 : vector<32x32x1xi32> to vector<32x32x1xi32>
    %broadcast_in_dim3A_372 = vector.broadcast %broadcast_in_dim3A_371 : vector<32x32x1xi32> to vector<32x32x128xi32>
    %lt3A_373 = arith.constant 21 : i32
    %lt3A_374 = vector.broadcast %lt3A_373 : i32 to vector<1x1x128xi32>
    %lt3A_375 = arith.cmpi slt, %iota3A, %lt3A_374 : vector<1x1x128xi32>
    %and3A_376 = arith.constant 65535 : i32
    %and3A_377 = vector.broadcast %and3A_376 : i32 to vector<32x32x128xi32>
    %and3A_378 = arith.andi %broadcast_in_dim3A_372, %and3A_377 : vector<32x32x128xi32>
    %shift_right_arithmetic3A_379 = arith.constant 16 : i32
    %shift_right_arithmetic3A_380 = vector.broadcast %shift_right_arithmetic3A_379 : i32 to vector<32x32x128xi32>
    %shift_right_arithmetic3A_381 = arith.shrsi %broadcast_in_dim3A_372, %shift_right_arithmetic3A_380 : vector<32x32x128xi32>
    %broadcast_in_dim3A_382 = vector.shape_cast %lt3A_375 : vector<1x1x128xi1> to vector<1x1x128xi1>
    %broadcast_in_dim3A_383 = vector.broadcast %broadcast_in_dim3A_382 : vector<1x1x128xi1> to vector<32x32x128xi1>
    %select_n3A_384 = arith.select %broadcast_in_dim3A_383, %and3A_378, %shift_right_arithmetic3A_381 : vector<32x32x128xi1>, vector<32x32x128xi32>
    %eq3A_385 = vector.broadcast %select_n3A_7 : vector<1x1x128xi32> to vector<32x32x128xi32>
    %eq3A_386 = arith.cmpi eq, %select_n3A_384, %eq3A_385 : vector<32x32x128xi32>
    %convert_element_type3A_387 = arith.extui %eq3A_386 : vector<32x32x128xi1> to vector<32x32x128xi32>
    %convert_element_type3A_388 = arith.sitofp %convert_element_type3A_387 : vector<32x32x128xi32> to vector<32x32x128xf32>
    %slice3A_389 = vector.extract_strided_slice %get3A_17 {offsets = [0, 0, 320], sizes = [32, 32, 40], strides = [1, 1, 1]} : vector<32x32x640xf32> to vector<32x32x40xf32>
    %jit3A_390 = arith.constant 0 : i32
    %convert_element_type3A_391 = arith.sitofp %jit3A_390 : i32 to f32
    %pad3A_392 = vector.broadcast %convert_element_type3A_391 : f32 to vector<32x32x88xf32>
    %pad3A_393 = tpu.concatenate %slice3A_389, %pad3A_392 in 2 : vector<32x32x40xf32>, vector<32x32x88xf32> -> vector<32x32x128xf32>
    %lt3A_394 = arith.constant 42 : i32
    %lt3A_395 = vector.broadcast %lt3A_394 : i32 to vector<1x1x128xi32>
    %lt3A_396 = arith.cmpi slt, %iota3A, %lt3A_395 : vector<1x1x128xi32>
    %slice3A_397 = vector.extract_strided_slice %pad3A_393 {offsets = [0, 0, 86], sizes = [32, 32, 42], strides = [1, 1, 1]} : vector<32x32x128xf32> to vector<32x32x42xf32>
    %slice3A_398 = vector.extract_strided_slice %pad3A_393 {offsets = [0, 0, 0], sizes = [32, 32, 86], strides = [1, 1, 1]} : vector<32x32x128xf32> to vector<32x32x86xf32>
    %concatenate3A_399 = tpu.concatenate %slice3A_397, %slice3A_398 in 2 : vector<32x32x42xf32>, vector<32x32x86xf32> -> vector<32x32x128xf32>
    %broadcast_in_dim3A_400 = vector.shape_cast %lt3A_396 : vector<1x1x128xi1> to vector<1x1x128xi1>
    %broadcast_in_dim3A_401 = vector.broadcast %broadcast_in_dim3A_400 : vector<1x1x128xi1> to vector<32x32x128xi1>
    %select_n3A_402 = arith.select %broadcast_in_dim3A_401, %convert_element_type3A_388, %concatenate3A_399 : vector<32x32x128xi1>, vector<32x32x128xf32>
    %reshape3A_403 = vector.shape_cast %select_n3A_402 : vector<32x32x128xf32> to vector<1024x128xf32>
    %dot_general3A_404 = arith.constant dense<0.000000e+00> : vector<1024x128xf32>
    %dot_general3A_405 = tpu.matmul %reshape3A_403, %get3A_9, %dot_general3A_404 {dimension_numbers = #tpu.dot_dimension_numbers<[1], [0], [0], [1], [0, 0, 1, 1], [], []>, transpose_lhs_hint = false} : vector<1024x128xf32>, vector<128x128xf32>, vector<1024x128xf32> -> vector<1024x128xf32>
    %reshape3A_406 = vector.shape_cast %dot_general3A_405 : vector<1024x128xf32> to vector<32x32x128xf32>
    %slice3A_407 = vector.extract_strided_slice %get3A_20 {offsets = [0, 1024], sizes = [32, 128], strides = [1, 1]} : vector<32x2048xf32> to vector<32x128xf32>
    %broadcast_in_dim3A_408 = vector.shape_cast %slice3A_407 : vector<32x128xf32> to vector<1x32x128xf32>
    %add3A_409 = vector.broadcast %broadcast_in_dim3A_408 : vector<1x32x128xf32> to vector<32x32x128xf32>
    %add3A_410 = arith.addf %reshape3A_406, %add3A_409 : vector<32x32x128xf32>
    %swap3A_411 = arith.constant 0 : index
    %swap3A_412 = arith.constant 0 : index
    %swap3A_413 = arith.constant 1024 : index
    %swap3A_414 = vector.load %arg5[%swap3A_411, %swap3A_412, %swap3A_413] : memref<32x32x2048xf32, #tpu.memory_space<vmem>>, vector<32x32x128xf32>
    tpu.vector_store %arg5[%swap3A_411, %swap3A_412, %swap3A_413], %add3A_410 {strides = array<i32>} : memref<32x32x2048xf32, #tpu.memory_space<vmem>>, vector<32x32x128xf32>,
    %slice3A_415 = vector.extract_strided_slice %get3A_13 {offsets = [0, 0, 9], sizes = [32, 32, 1], strides = [1, 1, 1]} : vector<32x32x16xi32> to vector<32x32x1xi32>
    %broadcast_in_dim3A_416 = vector.shape_cast %slice3A_415 : vector<32x32x1xi32> to vector<32x32x1xi32>
    %broadcast_in_dim3A_417 = vector.broadcast %broadcast_in_dim3A_416 : vector<32x32x1xi32> to vector<32x32x128xi32>
    %lt3A_418 = arith.constant 21 : i32
    %lt3A_419 = vector.broadcast %lt3A_418 : i32 to vector<1x1x128xi32>
    %lt3A_420 = arith.cmpi slt, %iota3A, %lt3A_419 : vector<1x1x128xi32>
    %and3A_421 = arith.constant 65535 : i32
    %and3A_422 = vector.broadcast %and3A_421 : i32 to vector<32x32x128xi32>
    %and3A_423 = arith.andi %broadcast_in_dim3A_417, %and3A_422 : vector<32x32x128xi32>
    %shift_right_arithmetic3A_424 = arith.constant 16 : i32
    %shift_right_arithmetic3A_425 = vector.broadcast %shift_right_arithmetic3A_424 : i32 to vector<32x32x128xi32>
    %shift_right_arithmetic3A_426 = arith.shrsi %broadcast_in_dim3A_417, %shift_right_arithmetic3A_425 : vector<32x32x128xi32>
    %broadcast_in_dim3A_427 = vector.shape_cast %lt3A_420 : vector<1x1x128xi1> to vector<1x1x128xi1>
    %broadcast_in_dim3A_428 = vector.broadcast %broadcast_in_dim3A_427 : vector<1x1x128xi1> to vector<32x32x128xi1>
    %select_n3A_429 = arith.select %broadcast_in_dim3A_428, %and3A_423, %shift_right_arithmetic3A_426 : vector<32x32x128xi1>, vector<32x32x128xi32>
    %eq3A_430 = vector.broadcast %select_n3A_7 : vector<1x1x128xi32> to vector<32x32x128xi32>
    %eq3A_431 = arith.cmpi eq, %select_n3A_429, %eq3A_430 : vector<32x32x128xi32>
    %convert_element_type3A_432 = arith.extui %eq3A_431 : vector<32x32x128xi1> to vector<32x32x128xi32>
    %convert_element_type3A_433 = arith.sitofp %convert_element_type3A_432 : vector<32x32x128xi32> to vector<32x32x128xf32>
    %slice3A_434 = vector.extract_strided_slice %get3A_17 {offsets = [0, 0, 360], sizes = [32, 32, 40], strides = [1, 1, 1]} : vector<32x32x640xf32> to vector<32x32x40xf32>
    %jit3A_435 = arith.constant 0 : i32
    %convert_element_type3A_436 = arith.sitofp %jit3A_435 : i32 to f32
    %pad3A_437 = vector.broadcast %convert_element_type3A_436 : f32 to vector<32x32x88xf32>
    %pad3A_438 = tpu.concatenate %slice3A_434, %pad3A_437 in 2 : vector<32x32x40xf32>, vector<32x32x88xf32> -> vector<32x32x128xf32>
    %lt3A_439 = arith.constant 42 : i32
    %lt3A_440 = vector.broadcast %lt3A_439 : i32 to vector<1x1x128xi32>
    %lt3A_441 = arith.cmpi slt, %iota3A, %lt3A_440 : vector<1x1x128xi32>
    %slice3A_442 = vector.extract_strided_slice %pad3A_438 {offsets = [0, 0, 86], sizes = [32, 32, 42], strides = [1, 1, 1]} : vector<32x32x128xf32> to vector<32x32x42xf32>
    %slice3A_443 = vector.extract_strided_slice %pad3A_438 {offsets = [0, 0, 0], sizes = [32, 32, 86], strides = [1, 1, 1]} : vector<32x32x128xf32> to vector<32x32x86xf32>
    %concatenate3A_444 = tpu.concatenate %slice3A_442, %slice3A_443 in 2 : vector<32x32x42xf32>, vector<32x32x86xf32> -> vector<32x32x128xf32>
    %broadcast_in_dim3A_445 = vector.shape_cast %lt3A_441 : vector<1x1x128xi1> to vector<1x1x128xi1>
    %broadcast_in_dim3A_446 = vector.broadcast %broadcast_in_dim3A_445 : vector<1x1x128xi1> to vector<32x32x128xi1>
    %select_n3A_447 = arith.select %broadcast_in_dim3A_446, %convert_element_type3A_433, %concatenate3A_444 : vector<32x32x128xi1>, vector<32x32x128xf32>
    %reshape3A_448 = vector.shape_cast %select_n3A_447 : vector<32x32x128xf32> to vector<1024x128xf32>
    %dot_general3A_449 = arith.constant dense<0.000000e+00> : vector<1024x128xf32>
    %dot_general3A_450 = tpu.matmul %reshape3A_448, %get3A_9, %dot_general3A_449 {dimension_numbers = #tpu.dot_dimension_numbers<[1], [0], [0], [1], [0, 0, 1, 1], [], []>, transpose_lhs_hint = false} : vector<1024x128xf32>, vector<128x128xf32>, vector<1024x128xf32> -> vector<1024x128xf32>
    %reshape3A_451 = vector.shape_cast %dot_general3A_450 : vector<1024x128xf32> to vector<32x32x128xf32>
    %slice3A_452 = vector.extract_strided_slice %get3A_20 {offsets = [0, 1152], sizes = [32, 128], strides = [1, 1]} : vector<32x2048xf32> to vector<32x128xf32>
    %broadcast_in_dim3A_453 = vector.shape_cast %slice3A_452 : vector<32x128xf32> to vector<1x32x128xf32>
    %add3A_454 = vector.broadcast %broadcast_in_dim3A_453 : vector<1x32x128xf32> to vector<32x32x128xf32>
    %add3A_455 = arith.addf %reshape3A_451, %add3A_454 : vector<32x32x128xf32>
    %swap3A_456 = arith.constant 0 : index
    %swap3A_457 = arith.constant 0 : index
    %swap3A_458 = arith.constant 1152 : index
    %swap3A_459 = vector.load %arg5[%swap3A_456, %swap3A_457, %swap3A_458] : memref<32x32x2048xf32, #tpu.memory_space<vmem>>, vector<32x32x128xf32>
    tpu.vector_store %arg5[%swap3A_456, %swap3A_457, %swap3A_458], %add3A_455 {strides = array<i32>} : memref<32x32x2048xf32, #tpu.memory_space<vmem>>, vector<32x32x128xf32>,
    %slice3A_460 = vector.extract_strided_slice %get3A_13 {offsets = [0, 0, 10], sizes = [32, 32, 1], strides = [1, 1, 1]} : vector<32x32x16xi32> to vector<32x32x1xi32>
    %broadcast_in_dim3A_461 = vector.shape_cast %slice3A_460 : vector<32x32x1xi32> to vector<32x32x1xi32>
    %broadcast_in_dim3A_462 = vector.broadcast %broadcast_in_dim3A_461 : vector<32x32x1xi32> to vector<32x32x128xi32>
    %lt3A_463 = arith.constant 21 : i32
    %lt3A_464 = vector.broadcast %lt3A_463 : i32 to vector<1x1x128xi32>
    %lt3A_465 = arith.cmpi slt, %iota3A, %lt3A_464 : vector<1x1x128xi32>
    %and3A_466 = arith.constant 65535 : i32
    %and3A_467 = vector.broadcast %and3A_466 : i32 to vector<32x32x128xi32>
    %and3A_468 = arith.andi %broadcast_in_dim3A_462, %and3A_467 : vector<32x32x128xi32>
    %shift_right_arithmetic3A_469 = arith.constant 16 : i32
    %shift_right_arithmetic3A_470 = vector.broadcast %shift_right_arithmetic3A_469 : i32 to vector<32x32x128xi32>
    %shift_right_arithmetic3A_471 = arith.shrsi %broadcast_in_dim3A_462, %shift_right_arithmetic3A_470 : vector<32x32x128xi32>
    %broadcast_in_dim3A_472 = vector.shape_cast %lt3A_465 : vector<1x1x128xi1> to vector<1x1x128xi1>
    %broadcast_in_dim3A_473 = vector.broadcast %broadcast_in_dim3A_472 : vector<1x1x128xi1> to vector<32x32x128xi1>
    %select_n3A_474 = arith.select %broadcast_in_dim3A_473, %and3A_468, %shift_right_arithmetic3A_471 : vector<32x32x128xi1>, vector<32x32x128xi32>
    %eq3A_475 = vector.broadcast %select_n3A_7 : vector<1x1x128xi32> to vector<32x32x128xi32>
    %eq3A_476 = arith.cmpi eq, %select_n3A_474, %eq3A_475 : vector<32x32x128xi32>
    %convert_element_type3A_477 = arith.extui %eq3A_476 : vector<32x32x128xi1> to vector<32x32x128xi32>
    %convert_element_type3A_478 = arith.sitofp %convert_element_type3A_477 : vector<32x32x128xi32> to vector<32x32x128xf32>
    %slice3A_479 = vector.extract_strided_slice %get3A_17 {offsets = [0, 0, 400], sizes = [32, 32, 40], strides = [1, 1, 1]} : vector<32x32x640xf32> to vector<32x32x40xf32>
    %jit3A_480 = arith.constant 0 : i32
    %convert_element_type3A_481 = arith.sitofp %jit3A_480 : i32 to f32
    %pad3A_482 = vector.broadcast %convert_element_type3A_481 : f32 to vector<32x32x88xf32>
    %pad3A_483 = tpu.concatenate %slice3A_479, %pad3A_482 in 2 : vector<32x32x40xf32>, vector<32x32x88xf32> -> vector<32x32x128xf32>
    %lt3A_484 = arith.constant 42 : i32
    %lt3A_485 = vector.broadcast %lt3A_484 : i32 to vector<1x1x128xi32>
    %lt3A_486 = arith.cmpi slt, %iota3A, %lt3A_485 : vector<1x1x128xi32>
    %slice3A_487 = vector.extract_strided_slice %pad3A_483 {offsets = [0, 0, 86], sizes = [32, 32, 42], strides = [1, 1, 1]} : vector<32x32x128xf32> to vector<32x32x42xf32>
    %slice3A_488 = vector.extract_strided_slice %pad3A_483 {offsets = [0, 0, 0], sizes = [32, 32, 86], strides = [1, 1, 1]} : vector<32x32x128xf32> to vector<32x32x86xf32>
    %concatenate3A_489 = tpu.concatenate %slice3A_487, %slice3A_488 in 2 : vector<32x32x42xf32>, vector<32x32x86xf32> -> vector<32x32x128xf32>
    %broadcast_in_dim3A_490 = vector.shape_cast %lt3A_486 : vector<1x1x128xi1> to vector<1x1x128xi1>
    %broadcast_in_dim3A_491 = vector.broadcast %broadcast_in_dim3A_490 : vector<1x1x128xi1> to vector<32x32x128xi1>
    %select_n3A_492 = arith.select %broadcast_in_dim3A_491, %convert_element_type3A_478, %concatenate3A_489 : vector<32x32x128xi1>, vector<32x32x128xf32>
    %reshape3A_493 = vector.shape_cast %select_n3A_492 : vector<32x32x128xf32> to vector<1024x128xf32>
    %dot_general3A_494 = arith.constant dense<0.000000e+00> : vector<1024x128xf32>
    %dot_general3A_495 = tpu.matmul %reshape3A_493, %get3A_9, %dot_general3A_494 {dimension_numbers = #tpu.dot_dimension_numbers<[1], [0], [0], [1], [0, 0, 1, 1], [], []>, transpose_lhs_hint = false} : vector<1024x128xf32>, vector<128x128xf32>, vector<1024x128xf32> -> vector<1024x128xf32>
    %reshape3A_496 = vector.shape_cast %dot_general3A_495 : vector<1024x128xf32> to vector<32x32x128xf32>
    %slice3A_497 = vector.extract_strided_slice %get3A_20 {offsets = [0, 1280], sizes = [32, 128], strides = [1, 1]} : vector<32x2048xf32> to vector<32x128xf32>
    %broadcast_in_dim3A_498 = vector.shape_cast %slice3A_497 : vector<32x128xf32> to vector<1x32x128xf32>
    %add3A_499 = vector.broadcast %broadcast_in_dim3A_498 : vector<1x32x128xf32> to vector<32x32x128xf32>
    %add3A_500 = arith.addf %reshape3A_496, %add3A_499 : vector<32x32x128xf32>
    %swap3A_501 = arith.constant 0 : index
    %swap3A_502 = arith.constant 0 : index
    %swap3A_503 = arith.constant 1280 : index
    %swap3A_504 = vector.load %arg5[%swap3A_501, %swap3A_502, %swap3A_503] : memref<32x32x2048xf32, #tpu.memory_space<vmem>>, vector<32x32x128xf32>
    tpu.vector_store %arg5[%swap3A_501, %swap3A_502, %swap3A_503], %add3A_500 {strides = array<i32>} : memref<32x32x2048xf32, #tpu.memory_space<vmem>>, vector<32x32x128xf32>,
    %slice3A_505 = vector.extract_strided_slice %get3A_13 {offsets = [0, 0, 11], sizes = [32, 32, 1], strides = [1, 1, 1]} : vector<32x32x16xi32> to vector<32x32x1xi32>
    %broadcast_in_dim3A_506 = vector.shape_cast %slice3A_505 : vector<32x32x1xi32> to vector<32x32x1xi32>
    %broadcast_in_dim3A_507 = vector.broadcast %broadcast_in_dim3A_506 : vector<32x32x1xi32> to vector<32x32x128xi32>
    %lt3A_508 = arith.constant 21 : i32
    %lt3A_509 = vector.broadcast %lt3A_508 : i32 to vector<1x1x128xi32>
    %lt3A_510 = arith.cmpi slt, %iota3A, %lt3A_509 : vector<1x1x128xi32>
    %and3A_511 = arith.constant 65535 : i32
    %and3A_512 = vector.broadcast %and3A_511 : i32 to vector<32x32x128xi32>
    %and3A_513 = arith.andi %broadcast_in_dim3A_507, %and3A_512 : vector<32x32x128xi32>
    %shift_right_arithmetic3A_514 = arith.constant 16 : i32
    %shift_right_arithmetic3A_515 = vector.broadcast %shift_right_arithmetic3A_514 : i32 to vector<32x32x128xi32>
    %shift_right_arithmetic3A_516 = arith.shrsi %broadcast_in_dim3A_507, %shift_right_arithmetic3A_515 : vector<32x32x128xi32>
    %broadcast_in_dim3A_517 = vector.shape_cast %lt3A_510 : vector<1x1x128xi1> to vector<1x1x128xi1>
    %broadcast_in_dim3A_518 = vector.broadcast %broadcast_in_dim3A_517 : vector<1x1x128xi1> to vector<32x32x128xi1>
    %select_n3A_519 = arith.select %broadcast_in_dim3A_518, %and3A_513, %shift_right_arithmetic3A_516 : vector<32x32x128xi1>, vector<32x32x128xi32>
    %eq3A_520 = vector.broadcast %select_n3A_7 : vector<1x1x128xi32> to vector<32x32x128xi32>
    %eq3A_521 = arith.cmpi eq, %select_n3A_519, %eq3A_520 : vector<32x32x128xi32>
    %convert_element_type3A_522 = arith.extui %eq3A_521 : vector<32x32x128xi1> to vector<32x32x128xi32>
    %convert_element_type3A_523 = arith.sitofp %convert_element_type3A_522 : vector<32x32x128xi32> to vector<32x32x128xf32>
    %slice3A_524 = vector.extract_strided_slice %get3A_17 {offsets = [0, 0, 440], sizes = [32, 32, 40], strides = [1, 1, 1]} : vector<32x32x640xf32> to vector<32x32x40xf32>
    %jit3A_525 = arith.constant 0 : i32
    %convert_element_type3A_526 = arith.sitofp %jit3A_525 : i32 to f32
    %pad3A_527 = vector.broadcast %convert_element_type3A_526 : f32 to vector<32x32x88xf32>
    %pad3A_528 = tpu.concatenate %slice3A_524, %pad3A_527 in 2 : vector<32x32x40xf32>, vector<32x32x88xf32> -> vector<32x32x128xf32>
    %lt3A_529 = arith.constant 42 : i32
    %lt3A_530 = vector.broadcast %lt3A_529 : i32 to vector<1x1x128xi32>
    %lt3A_531 = arith.cmpi slt, %iota3A, %lt3A_530 : vector<1x1x128xi32>
    %slice3A_532 = vector.extract_strided_slice %pad3A_528 {offsets = [0, 0, 86], sizes = [32, 32, 42], strides = [1, 1, 1]} : vector<32x32x128xf32> to vector<32x32x42xf32>
    %slice3A_533 = vector.extract_strided_slice %pad3A_528 {offsets = [0, 0, 0], sizes = [32, 32, 86], strides = [1, 1, 1]} : vector<32x32x128xf32> to vector<32x32x86xf32>
    %concatenate3A_534 = tpu.concatenate %slice3A_532, %slice3A_533 in 2 : vector<32x32x42xf32>, vector<32x32x86xf32> -> vector<32x32x128xf32>
    %broadcast_in_dim3A_535 = vector.shape_cast %lt3A_531 : vector<1x1x128xi1> to vector<1x1x128xi1>
    %broadcast_in_dim3A_536 = vector.broadcast %broadcast_in_dim3A_535 : vector<1x1x128xi1> to vector<32x32x128xi1>
    %select_n3A_537 = arith.select %broadcast_in_dim3A_536, %convert_element_type3A_523, %concatenate3A_534 : vector<32x32x128xi1>, vector<32x32x128xf32>
    %reshape3A_538 = vector.shape_cast %select_n3A_537 : vector<32x32x128xf32> to vector<1024x128xf32>
    %dot_general3A_539 = arith.constant dense<0.000000e+00> : vector<1024x128xf32>
    %dot_general3A_540 = tpu.matmul %reshape3A_538, %get3A_9, %dot_general3A_539 {dimension_numbers = #tpu.dot_dimension_numbers<[1], [0], [0], [1], [0, 0, 1, 1], [], []>, transpose_lhs_hint = false} : vector<1024x128xf32>, vector<128x128xf32>, vector<1024x128xf32> -> vector<1024x128xf32>
    %reshape3A_541 = vector.shape_cast %dot_general3A_540 : vector<1024x128xf32> to vector<32x32x128xf32>
    %slice3A_542 = vector.extract_strided_slice %get3A_20 {offsets = [0, 1408], sizes = [32, 128], strides = [1, 1]} : vector<32x2048xf32> to vector<32x128xf32>
    %broadcast_in_dim3A_543 = vector.shape_cast %slice3A_542 : vector<32x128xf32> to vector<1x32x128xf32>
    %add3A_544 = vector.broadcast %broadcast_in_dim3A_543 : vector<1x32x128xf32> to vector<32x32x128xf32>
    %add3A_545 = arith.addf %reshape3A_541, %add3A_544 : vector<32x32x128xf32>
    %swap3A_546 = arith.constant 0 : index
    %swap3A_547 = arith.constant 0 : index
    %swap3A_548 = arith.constant 1408 : index
    %swap3A_549 = vector.load %arg5[%swap3A_546, %swap3A_547, %swap3A_548] : memref<32x32x2048xf32, #tpu.memory_space<vmem>>, vector<32x32x128xf32>
    tpu.vector_store %arg5[%swap3A_546, %swap3A_547, %swap3A_548], %add3A_545 {strides = array<i32>} : memref<32x32x2048xf32, #tpu.memory_space<vmem>>, vector<32x32x128xf32>,
    %slice3A_550 = vector.extract_strided_slice %get3A_13 {offsets = [0, 0, 12], sizes = [32, 32, 1], strides = [1, 1, 1]} : vector<32x32x16xi32> to vector<32x32x1xi32>
    %broadcast_in_dim3A_551 = vector.shape_cast %slice3A_550 : vector<32x32x1xi32> to vector<32x32x1xi32>
    %broadcast_in_dim3A_552 = vector.broadcast %broadcast_in_dim3A_551 : vector<32x32x1xi32> to vector<32x32x128xi32>
    %lt3A_553 = arith.constant 21 : i32
    %lt3A_554 = vector.broadcast %lt3A_553 : i32 to vector<1x1x128xi32>
    %lt3A_555 = arith.cmpi slt, %iota3A, %lt3A_554 : vector<1x1x128xi32>
    %and3A_556 = arith.constant 65535 : i32
    %and3A_557 = vector.broadcast %and3A_556 : i32 to vector<32x32x128xi32>
    %and3A_558 = arith.andi %broadcast_in_dim3A_552, %and3A_557 : vector<32x32x128xi32>
    %shift_right_arithmetic3A_559 = arith.constant 16 : i32
    %shift_right_arithmetic3A_560 = vector.broadcast %shift_right_arithmetic3A_559 : i32 to vector<32x32x128xi32>
    %shift_right_arithmetic3A_561 = arith.shrsi %broadcast_in_dim3A_552, %shift_right_arithmetic3A_560 : vector<32x32x128xi32>
    %broadcast_in_dim3A_562 = vector.shape_cast %lt3A_555 : vector<1x1x128xi1> to vector<1x1x128xi1>
    %broadcast_in_dim3A_563 = vector.broadcast %broadcast_in_dim3A_562 : vector<1x1x128xi1> to vector<32x32x128xi1>
    %select_n3A_564 = arith.select %broadcast_in_dim3A_563, %and3A_558, %shift_right_arithmetic3A_561 : vector<32x32x128xi1>, vector<32x32x128xi32>
    %eq3A_565 = vector.broadcast %select_n3A_7 : vector<1x1x128xi32> to vector<32x32x128xi32>
    %eq3A_566 = arith.cmpi eq, %select_n3A_564, %eq3A_565 : vector<32x32x128xi32>
    %convert_element_type3A_567 = arith.extui %eq3A_566 : vector<32x32x128xi1> to vector<32x32x128xi32>
    %convert_element_type3A_568 = arith.sitofp %convert_element_type3A_567 : vector<32x32x128xi32> to vector<32x32x128xf32>
    %slice3A_569 = vector.extract_strided_slice %get3A_17 {offsets = [0, 0, 480], sizes = [32, 32, 40], strides = [1, 1, 1]} : vector<32x32x640xf32> to vector<32x32x40xf32>
    %jit3A_570 = arith.constant 0 : i32
    %convert_element_type3A_571 = arith.sitofp %jit3A_570 : i32 to f32
    %pad3A_572 = vector.broadcast %convert_element_type3A_571 : f32 to vector<32x32x88xf32>
    %pad3A_573 = tpu.concatenate %slice3A_569, %pad3A_572 in 2 : vector<32x32x40xf32>, vector<32x32x88xf32> -> vector<32x32x128xf32>
    %lt3A_574 = arith.constant 42 : i32
    %lt3A_575 = vector.broadcast %lt3A_574 : i32 to vector<1x1x128xi32>
    %lt3A_576 = arith.cmpi slt, %iota3A, %lt3A_575 : vector<1x1x128xi32>
    %slice3A_577 = vector.extract_strided_slice %pad3A_573 {offsets = [0, 0, 86], sizes = [32, 32, 42], strides = [1, 1, 1]} : vector<32x32x128xf32> to vector<32x32x42xf32>
    %slice3A_578 = vector.extract_strided_slice %pad3A_573 {offsets = [0, 0, 0], sizes = [32, 32, 86], strides = [1, 1, 1]} : vector<32x32x128xf32> to vector<32x32x86xf32>
    %concatenate3A_579 = tpu.concatenate %slice3A_577, %slice3A_578 in 2 : vector<32x32x42xf32>, vector<32x32x86xf32> -> vector<32x32x128xf32>
    %broadcast_in_dim3A_580 = vector.shape_cast %lt3A_576 : vector<1x1x128xi1> to vector<1x1x128xi1>
    %broadcast_in_dim3A_581 = vector.broadcast %broadcast_in_dim3A_580 : vector<1x1x128xi1> to vector<32x32x128xi1>
    %select_n3A_582 = arith.select %broadcast_in_dim3A_581, %convert_element_type3A_568, %concatenate3A_579 : vector<32x32x128xi1>, vector<32x32x128xf32>
    %reshape3A_583 = vector.shape_cast %select_n3A_582 : vector<32x32x128xf32> to vector<1024x128xf32>
    %dot_general3A_584 = arith.constant dense<0.000000e+00> : vector<1024x128xf32>
    %dot_general3A_585 = tpu.matmul %reshape3A_583, %get3A_9, %dot_general3A_584 {dimension_numbers = #tpu.dot_dimension_numbers<[1], [0], [0], [1], [0, 0, 1, 1], [], []>, transpose_lhs_hint = false} : vector<1024x128xf32>, vector<128x128xf32>, vector<1024x128xf32> -> vector<1024x128xf32>
    %reshape3A_586 = vector.shape_cast %dot_general3A_585 : vector<1024x128xf32> to vector<32x32x128xf32>
    %slice3A_587 = vector.extract_strided_slice %get3A_20 {offsets = [0, 1536], sizes = [32, 128], strides = [1, 1]} : vector<32x2048xf32> to vector<32x128xf32>
    %broadcast_in_dim3A_588 = vector.shape_cast %slice3A_587 : vector<32x128xf32> to vector<1x32x128xf32>
    %add3A_589 = vector.broadcast %broadcast_in_dim3A_588 : vector<1x32x128xf32> to vector<32x32x128xf32>
    %add3A_590 = arith.addf %reshape3A_586, %add3A_589 : vector<32x32x128xf32>
    %swap3A_591 = arith.constant 0 : index
    %swap3A_592 = arith.constant 0 : index
    %swap3A_593 = arith.constant 1536 : index
    %swap3A_594 = vector.load %arg5[%swap3A_591, %swap3A_592, %swap3A_593] : memref<32x32x2048xf32, #tpu.memory_space<vmem>>, vector<32x32x128xf32>
    tpu.vector_store %arg5[%swap3A_591, %swap3A_592, %swap3A_593], %add3A_590 {strides = array<i32>} : memref<32x32x2048xf32, #tpu.memory_space<vmem>>, vector<32x32x128xf32>,
    %slice3A_595 = vector.extract_strided_slice %get3A_13 {offsets = [0, 0, 13], sizes = [32, 32, 1], strides = [1, 1, 1]} : vector<32x32x16xi32> to vector<32x32x1xi32>
    %broadcast_in_dim3A_596 = vector.shape_cast %slice3A_595 : vector<32x32x1xi32> to vector<32x32x1xi32>
    %broadcast_in_dim3A_597 = vector.broadcast %broadcast_in_dim3A_596 : vector<32x32x1xi32> to vector<32x32x128xi32>
    %lt3A_598 = arith.constant 21 : i32
    %lt3A_599 = vector.broadcast %lt3A_598 : i32 to vector<1x1x128xi32>
    %lt3A_600 = arith.cmpi slt, %iota3A, %lt3A_599 : vector<1x1x128xi32>
    %and3A_601 = arith.constant 65535 : i32
    %and3A_602 = vector.broadcast %and3A_601 : i32 to vector<32x32x128xi32>
    %and3A_603 = arith.andi %broadcast_in_dim3A_597, %and3A_602 : vector<32x32x128xi32>
    %shift_right_arithmetic3A_604 = arith.constant 16 : i32
    %shift_right_arithmetic3A_605 = vector.broadcast %shift_right_arithmetic3A_604 : i32 to vector<32x32x128xi32>
    %shift_right_arithmetic3A_606 = arith.shrsi %broadcast_in_dim3A_597, %shift_right_arithmetic3A_605 : vector<32x32x128xi32>
    %broadcast_in_dim3A_607 = vector.shape_cast %lt3A_600 : vector<1x1x128xi1> to vector<1x1x128xi1>
    %broadcast_in_dim3A_608 = vector.broadcast %broadcast_in_dim3A_607 : vector<1x1x128xi1> to vector<32x32x128xi1>
    %select_n3A_609 = arith.select %broadcast_in_dim3A_608, %and3A_603, %shift_right_arithmetic3A_606 : vector<32x32x128xi1>, vector<32x32x128xi32>
    %eq3A_610 = vector.broadcast %select_n3A_7 : vector<1x1x128xi32> to vector<32x32x128xi32>
    %eq3A_611 = arith.cmpi eq, %select_n3A_609, %eq3A_610 : vector<32x32x128xi32>
    %convert_element_type3A_612 = arith.extui %eq3A_611 : vector<32x32x128xi1> to vector<32x32x128xi32>
    %convert_element_type3A_613 = arith.sitofp %convert_element_type3A_612 : vector<32x32x128xi32> to vector<32x32x128xf32>
    %slice3A_614 = vector.extract_strided_slice %get3A_17 {offsets = [0, 0, 520], sizes = [32, 32, 40], strides = [1, 1, 1]} : vector<32x32x640xf32> to vector<32x32x40xf32>
    %jit3A_615 = arith.constant 0 : i32
    %convert_element_type3A_616 = arith.sitofp %jit3A_615 : i32 to f32
    %pad3A_617 = vector.broadcast %convert_element_type3A_616 : f32 to vector<32x32x88xf32>
    %pad3A_618 = tpu.concatenate %slice3A_614, %pad3A_617 in 2 : vector<32x32x40xf32>, vector<32x32x88xf32> -> vector<32x32x128xf32>
    %lt3A_619 = arith.constant 42 : i32
    %lt3A_620 = vector.broadcast %lt3A_619 : i32 to vector<1x1x128xi32>
    %lt3A_621 = arith.cmpi slt, %iota3A, %lt3A_620 : vector<1x1x128xi32>
    %slice3A_622 = vector.extract_strided_slice %pad3A_618 {offsets = [0, 0, 86], sizes = [32, 32, 42], strides = [1, 1, 1]} : vector<32x32x128xf32> to vector<32x32x42xf32>
    %slice3A_623 = vector.extract_strided_slice %pad3A_618 {offsets = [0, 0, 0], sizes = [32, 32, 86], strides = [1, 1, 1]} : vector<32x32x128xf32> to vector<32x32x86xf32>
    %concatenate3A_624 = tpu.concatenate %slice3A_622, %slice3A_623 in 2 : vector<32x32x42xf32>, vector<32x32x86xf32> -> vector<32x32x128xf32>
    %broadcast_in_dim3A_625 = vector.shape_cast %lt3A_621 : vector<1x1x128xi1> to vector<1x1x128xi1>
    %broadcast_in_dim3A_626 = vector.broadcast %broadcast_in_dim3A_625 : vector<1x1x128xi1> to vector<32x32x128xi1>
    %select_n3A_627 = arith.select %broadcast_in_dim3A_626, %convert_element_type3A_613, %concatenate3A_624 : vector<32x32x128xi1>, vector<32x32x128xf32>
    %reshape3A_628 = vector.shape_cast %select_n3A_627 : vector<32x32x128xf32> to vector<1024x128xf32>
    %dot_general3A_629 = arith.constant dense<0.000000e+00> : vector<1024x128xf32>
    %dot_general3A_630 = tpu.matmul %reshape3A_628, %get3A_9, %dot_general3A_629 {dimension_numbers = #tpu.dot_dimension_numbers<[1], [0], [0], [1], [0, 0, 1, 1], [], []>, transpose_lhs_hint = false} : vector<1024x128xf32>, vector<128x128xf32>, vector<1024x128xf32> -> vector<1024x128xf32>
    %reshape3A_631 = vector.shape_cast %dot_general3A_630 : vector<1024x128xf32> to vector<32x32x128xf32>
    %slice3A_632 = vector.extract_strided_slice %get3A_20 {offsets = [0, 1664], sizes = [32, 128], strides = [1, 1]} : vector<32x2048xf32> to vector<32x128xf32>
    %broadcast_in_dim3A_633 = vector.shape_cast %slice3A_632 : vector<32x128xf32> to vector<1x32x128xf32>
    %add3A_634 = vector.broadcast %broadcast_in_dim3A_633 : vector<1x32x128xf32> to vector<32x32x128xf32>
    %add3A_635 = arith.addf %reshape3A_631, %add3A_634 : vector<32x32x128xf32>
    %swap3A_636 = arith.constant 0 : index
    %swap3A_637 = arith.constant 0 : index
    %swap3A_638 = arith.constant 1664 : index
    %swap3A_639 = vector.load %arg5[%swap3A_636, %swap3A_637, %swap3A_638] : memref<32x32x2048xf32, #tpu.memory_space<vmem>>, vector<32x32x128xf32>
    tpu.vector_store %arg5[%swap3A_636, %swap3A_637, %swap3A_638], %add3A_635 {strides = array<i32>} : memref<32x32x2048xf32, #tpu.memory_space<vmem>>, vector<32x32x128xf32>,
    %slice3A_640 = vector.extract_strided_slice %get3A_13 {offsets = [0, 0, 14], sizes = [32, 32, 1], strides = [1, 1, 1]} : vector<32x32x16xi32> to vector<32x32x1xi32>
    %broadcast_in_dim3A_641 = vector.shape_cast %slice3A_640 : vector<32x32x1xi32> to vector<32x32x1xi32>
    %broadcast_in_dim3A_642 = vector.broadcast %broadcast_in_dim3A_641 : vector<32x32x1xi32> to vector<32x32x128xi32>
    %lt3A_643 = arith.constant 21 : i32
    %lt3A_644 = vector.broadcast %lt3A_643 : i32 to vector<1x1x128xi32>
    %lt3A_645 = arith.cmpi slt, %iota3A, %lt3A_644 : vector<1x1x128xi32>
    %and3A_646 = arith.constant 65535 : i32
    %and3A_647 = vector.broadcast %and3A_646 : i32 to vector<32x32x128xi32>
    %and3A_648 = arith.andi %broadcast_in_dim3A_642, %and3A_647 : vector<32x32x128xi32>
    %shift_right_arithmetic3A_649 = arith.constant 16 : i32
    %shift_right_arithmetic3A_650 = vector.broadcast %shift_right_arithmetic3A_649 : i32 to vector<32x32x128xi32>
    %shift_right_arithmetic3A_651 = arith.shrsi %broadcast_in_dim3A_642, %shift_right_arithmetic3A_650 : vector<32x32x128xi32>
    %broadcast_in_dim3A_652 = vector.shape_cast %lt3A_645 : vector<1x1x128xi1> to vector<1x1x128xi1>
    %broadcast_in_dim3A_653 = vector.broadcast %broadcast_in_dim3A_652 : vector<1x1x128xi1> to vector<32x32x128xi1>
    %select_n3A_654 = arith.select %broadcast_in_dim3A_653, %and3A_648, %shift_right_arithmetic3A_651 : vector<32x32x128xi1>, vector<32x32x128xi32>
    %eq3A_655 = vector.broadcast %select_n3A_7 : vector<1x1x128xi32> to vector<32x32x128xi32>
    %eq3A_656 = arith.cmpi eq, %select_n3A_654, %eq3A_655 : vector<32x32x128xi32>
    %convert_element_type3A_657 = arith.extui %eq3A_656 : vector<32x32x128xi1> to vector<32x32x128xi32>
    %convert_element_type3A_658 = arith.sitofp %convert_element_type3A_657 : vector<32x32x128xi32> to vector<32x32x128xf32>
    %slice3A_659 = vector.extract_strided_slice %get3A_17 {offsets = [0, 0, 560], sizes = [32, 32, 40], strides = [1, 1, 1]} : vector<32x32x640xf32> to vector<32x32x40xf32>
    %jit3A_660 = arith.constant 0 : i32
    %convert_element_type3A_661 = arith.sitofp %jit3A_660 : i32 to f32
    %pad3A_662 = vector.broadcast %convert_element_type3A_661 : f32 to vector<32x32x88xf32>
    %pad3A_663 = tpu.concatenate %slice3A_659, %pad3A_662 in 2 : vector<32x32x40xf32>, vector<32x32x88xf32> -> vector<32x32x128xf32>
    %lt3A_664 = arith.constant 42 : i32
    %lt3A_665 = vector.broadcast %lt3A_664 : i32 to vector<1x1x128xi32>
    %lt3A_666 = arith.cmpi slt, %iota3A, %lt3A_665 : vector<1x1x128xi32>
    %slice3A_667 = vector.extract_strided_slice %pad3A_663 {offsets = [0, 0, 86], sizes = [32, 32, 42], strides = [1, 1, 1]} : vector<32x32x128xf32> to vector<32x32x42xf32>
    %slice3A_668 = vector.extract_strided_slice %pad3A_663 {offsets = [0, 0, 0], sizes = [32, 32, 86], strides = [1, 1, 1]} : vector<32x32x128xf32> to vector<32x32x86xf32>
    %concatenate3A_669 = tpu.concatenate %slice3A_667, %slice3A_668 in 2 : vector<32x32x42xf32>, vector<32x32x86xf32> -> vector<32x32x128xf32>
    %broadcast_in_dim3A_670 = vector.shape_cast %lt3A_666 : vector<1x1x128xi1> to vector<1x1x128xi1>
    %broadcast_in_dim3A_671 = vector.broadcast %broadcast_in_dim3A_670 : vector<1x1x128xi1> to vector<32x32x128xi1>
    %select_n3A_672 = arith.select %broadcast_in_dim3A_671, %convert_element_type3A_658, %concatenate3A_669 : vector<32x32x128xi1>, vector<32x32x128xf32>
    %reshape3A_673 = vector.shape_cast %select_n3A_672 : vector<32x32x128xf32> to vector<1024x128xf32>
    %dot_general3A_674 = arith.constant dense<0.000000e+00> : vector<1024x128xf32>
    %dot_general3A_675 = tpu.matmul %reshape3A_673, %get3A_9, %dot_general3A_674 {dimension_numbers = #tpu.dot_dimension_numbers<[1], [0], [0], [1], [0, 0, 1, 1], [], []>, transpose_lhs_hint = false} : vector<1024x128xf32>, vector<128x128xf32>, vector<1024x128xf32> -> vector<1024x128xf32>
    %reshape3A_676 = vector.shape_cast %dot_general3A_675 : vector<1024x128xf32> to vector<32x32x128xf32>
    %slice3A_677 = vector.extract_strided_slice %get3A_20 {offsets = [0, 1792], sizes = [32, 128], strides = [1, 1]} : vector<32x2048xf32> to vector<32x128xf32>
    %broadcast_in_dim3A_678 = vector.shape_cast %slice3A_677 : vector<32x128xf32> to vector<1x32x128xf32>
    %add3A_679 = vector.broadcast %broadcast_in_dim3A_678 : vector<1x32x128xf32> to vector<32x32x128xf32>
    %add3A_680 = arith.addf %reshape3A_676, %add3A_679 : vector<32x32x128xf32>
    %swap3A_681 = arith.constant 0 : index
    %swap3A_682 = arith.constant 0 : index
    %swap3A_683 = arith.constant 1792 : index
    %swap3A_684 = vector.load %arg5[%swap3A_681, %swap3A_682, %swap3A_683] : memref<32x32x2048xf32, #tpu.memory_space<vmem>>, vector<32x32x128xf32>
    tpu.vector_store %arg5[%swap3A_681, %swap3A_682, %swap3A_683], %add3A_680 {strides = array<i32>} : memref<32x32x2048xf32, #tpu.memory_space<vmem>>, vector<32x32x128xf32>,
    %slice3A_685 = vector.extract_strided_slice %get3A_13 {offsets = [0, 0, 15], sizes = [32, 32, 1], strides = [1, 1, 1]} : vector<32x32x16xi32> to vector<32x32x1xi32>
    %broadcast_in_dim3A_686 = vector.shape_cast %slice3A_685 : vector<32x32x1xi32> to vector<32x32x1xi32>
    %broadcast_in_dim3A_687 = vector.broadcast %broadcast_in_dim3A_686 : vector<32x32x1xi32> to vector<32x32x128xi32>
    %lt3A_688 = arith.constant 21 : i32
    %lt3A_689 = vector.broadcast %lt3A_688 : i32 to vector<1x1x128xi32>
    %lt3A_690 = arith.cmpi slt, %iota3A, %lt3A_689 : vector<1x1x128xi32>
    %and3A_691 = arith.constant 65535 : i32
    %and3A_692 = vector.broadcast %and3A_691 : i32 to vector<32x32x128xi32>
    %and3A_693 = arith.andi %broadcast_in_dim3A_687, %and3A_692 : vector<32x32x128xi32>
    %shift_right_arithmetic3A_694 = arith.constant 16 : i32
    %shift_right_arithmetic3A_695 = vector.broadcast %shift_right_arithmetic3A_694 : i32 to vector<32x32x128xi32>
    %shift_right_arithmetic3A_696 = arith.shrsi %broadcast_in_dim3A_687, %shift_right_arithmetic3A_695 : vector<32x32x128xi32>
    %broadcast_in_dim3A_697 = vector.shape_cast %lt3A_690 : vector<1x1x128xi1> to vector<1x1x128xi1>
    %broadcast_in_dim3A_698 = vector.broadcast %broadcast_in_dim3A_697 : vector<1x1x128xi1> to vector<32x32x128xi1>
    %select_n3A_699 = arith.select %broadcast_in_dim3A_698, %and3A_693, %shift_right_arithmetic3A_696 : vector<32x32x128xi1>, vector<32x32x128xi32>
    %eq3A_700 = vector.broadcast %select_n3A_7 : vector<1x1x128xi32> to vector<32x32x128xi32>
    %eq3A_701 = arith.cmpi eq, %select_n3A_699, %eq3A_700 : vector<32x32x128xi32>
    %convert_element_type3A_702 = arith.extui %eq3A_701 : vector<32x32x128xi1> to vector<32x32x128xi32>
    %convert_element_type3A_703 = arith.sitofp %convert_element_type3A_702 : vector<32x32x128xi32> to vector<32x32x128xf32>
    %slice3A_704 = vector.extract_strided_slice %get3A_17 {offsets = [0, 0, 600], sizes = [32, 32, 40], strides = [1, 1, 1]} : vector<32x32x640xf32> to vector<32x32x40xf32>
    %jit3A_705 = arith.constant 0 : i32
    %convert_element_type3A_706 = arith.sitofp %jit3A_705 : i32 to f32
    %pad3A_707 = vector.broadcast %convert_element_type3A_706 : f32 to vector<32x32x88xf32>
    %pad3A_708 = tpu.concatenate %slice3A_704, %pad3A_707 in 2 : vector<32x32x40xf32>, vector<32x32x88xf32> -> vector<32x32x128xf32>
    %lt3A_709 = arith.constant 42 : i32
    %lt3A_710 = vector.broadcast %lt3A_709 : i32 to vector<1x1x128xi32>
    %lt3A_711 = arith.cmpi slt, %iota3A, %lt3A_710 : vector<1x1x128xi32>
    %slice3A_712 = vector.extract_strided_slice %pad3A_708 {offsets = [0, 0, 86], sizes = [32, 32, 42], strides = [1, 1, 1]} : vector<32x32x128xf32> to vector<32x32x42xf32>
    %slice3A_713 = vector.extract_strided_slice %pad3A_708 {offsets = [0, 0, 0], sizes = [32, 32, 86], strides = [1, 1, 1]} : vector<32x32x128xf32> to vector<32x32x86xf32>
    %concatenate3A_714 = tpu.concatenate %slice3A_712, %slice3A_713 in 2 : vector<32x32x42xf32>, vector<32x32x86xf32> -> vector<32x32x128xf32>
    %broadcast_in_dim3A_715 = vector.shape_cast %lt3A_711 : vector<1x1x128xi1> to vector<1x1x128xi1>
    %broadcast_in_dim3A_716 = vector.broadcast %broadcast_in_dim3A_715 : vector<1x1x128xi1> to vector<32x32x128xi1>
    %select_n3A_717 = arith.select %broadcast_in_dim3A_716, %convert_element_type3A_703, %concatenate3A_714 : vector<32x32x128xi1>, vector<32x32x128xf32>
    %reshape3A_718 = vector.shape_cast %select_n3A_717 : vector<32x32x128xf32> to vector<1024x128xf32>
    %dot_general3A_719 = arith.constant dense<0.000000e+00> : vector<1024x128xf32>
    %dot_general3A_720 = tpu.matmul %reshape3A_718, %get3A_9, %dot_general3A_719 {dimension_numbers = #tpu.dot_dimension_numbers<[1], [0], [0], [1], [0, 0, 1, 1], [], []>, transpose_lhs_hint = false} : vector<1024x128xf32>, vector<128x128xf32>, vector<1024x128xf32> -> vector<1024x128xf32>
    %reshape3A_721 = vector.shape_cast %dot_general3A_720 : vector<1024x128xf32> to vector<32x32x128xf32>
    %slice3A_722 = vector.extract_strided_slice %get3A_20 {offsets = [0, 1920], sizes = [32, 128], strides = [1, 1]} : vector<32x2048xf32> to vector<32x128xf32>
    %broadcast_in_dim3A_723 = vector.shape_cast %slice3A_722 : vector<32x128xf32> to vector<1x32x128xf32>
    %add3A_724 = vector.broadcast %broadcast_in_dim3A_723 : vector<1x32x128xf32> to vector<32x32x128xf32>
    %add3A_725 = arith.addf %reshape3A_721, %add3A_724 : vector<32x32x128xf32>
    %swap3A_726 = arith.constant 0 : index
    %swap3A_727 = arith.constant 0 : index
    %swap3A_728 = arith.constant 1920 : index
    %swap3A_729 = vector.load %arg5[%swap3A_726, %swap3A_727, %swap3A_728] : memref<32x32x2048xf32, #tpu.memory_space<vmem>>, vector<32x32x128xf32>
    tpu.vector_store %arg5[%swap3A_726, %swap3A_727, %swap3A_728], %add3A_725 {strides = array<i32>} : memref<32x32x2048xf32, #tpu.memory_space<vmem>>, vector<32x32x128xf32>,
    return
  }
  func.func @transform_0(%arg0: i32) -> (i32, i32, i32) {
    %c0_i32 = arith.constant 0 : i32
    %c0_i32_0 = arith.constant 0 : i32
    %c0_i32_1 = arith.constant 0 : i32
    return %arg0, %c0_i32, %c0_i32_0 : i32, i32, i32
  }
  func.func @transform_1(%arg0: i32) -> (i32, i32, i32) {
    %c0_i32 = arith.constant 0 : i32
    %c0_i32_0 = arith.constant 0 : i32
    %c0_i32_1 = arith.constant 0 : i32
    return %arg0, %c0_i32, %c0_i32_0 : i32, i32, i32
  }
  func.func @transform_2(%arg0: i32) -> (i32, i32) {
    %c0_i32 = arith.constant 0 : i32
    %c0_i32_0 = arith.constant 0 : i32
    %c0_i32_1 = arith.constant 0 : i32
    return %c0_i32, %c0_i32_0 : i32, i32
  }
  func.func @transform_3(%arg0: i32) -> (i32, i32) {
    %c0_i32 = arith.constant 0 : i32
    %c0_i32_0 = arith.constant 0 : i32
    %c0_i32_1 = arith.constant 0 : i32
    return %c0_i32, %c0_i32_0 : i32, i32
  }
  func.func @transform_4(%arg0: i32) -> (i32, i32, i32) {
    %c0_i32 = arith.constant 0 : i32
    %c0_i32_0 = arith.constant 0 : i32
    %c0_i32_1 = arith.constant 0 : i32
    return %arg0, %c0_i32, %c0_i32_0 : i32, i32, i32
  }
}

</mosaic_0001>

<sc_bundles>
// kernel: sparse-core-data-format-call.cloned.1.call-start
scs
called_computation_lowered:
.L_overlay_start_0:
0x0: {  	s2 =	sld [smem:$0x3FD9]  }
0x1: {  	s3 =	sld [smem:$0x3FFE];
	_ =	sdelay $0x1  }
0x2: {  	s1 =	srdreg.scid  }
0x3: {  	s0 =	sand.u32 $0x1, s1  }
0x4: {  	s18 =	sshll.u32 s0, $0xA;
	s2 =	sadd.s32 s3, s2  }
0x5: {  	s2 =	sadd.s32 s2, s18  }
0x6: {  	[smem:$0x3FC4] =	sst s2  }
0x7: {  	_ = 	snop  }
0x8: {  	s2 =	sld [smem:$0x3FD0];
	(tm) =	ssettm $0x1  }
0x9: {  	s19 =	sld [smem:$0x3FFB];
	_ =	sdelay $0x3  }
0xa: {  	_ =	strace s19  }
0xb: {  	s3 =	sld [smem:$0x3FFC];
	_ =	sdelay $0x3  }
0xc: {  	_ =	strace s3  }
0xd: {  	s3 =	sld [smem:$0x3FFD];
	_ =	sdelay $0x3  }
0xe: {  	_ =	strace s3  }
0xf: {  	_ =	strace $0x8FFFFFFF  }
0x10: {  	s20 =	sld [smem:$0x3FDB];
	_ =	sdelay $0x1  }
0x11: {  	s4 =	simm.s32 $_scs_section_size  }
0x12: {  	s5 =	simm.s32 $_size__tile_overlayer_lowered;
	s6 =	simm.s32 $_tile_overlayer_lowered  }
0x13: {  	s23 =	simm.s32 $0x1BFF;
	s22 =	sshll.u32 s6, $0x1;
	s3 =	sadd.s32 s4, s20  }
0x14: {  	s7 =	simm.s32 $0x0;
	s21 =	sshll.u32 s5, $0x1;
	s5 =	sadd.s32 s22, s3  }
0x15: {  	[timem:s7], [sflag:s23] =	dma.local [hbm:s5], s21  }
0x16: {  	_ =	swait.ge [sflag:s23], s21  }
0x17: {  	s4 =	ssub.s32 $0x0, s21;
	[sflag:s23] =	ssyncset.done $0x0  }
0x18: {  	[sflag:s23] =	ssyncadd.s32 s4;
	_ =	sdelay $0x1  }
0x19: {  	s24 =	simm.s32 $0x1B8B  }
0x1a: {  	_ =	swait.ge [sflag:s24], $0x1  }
0x1b: {  	[sflag:s24] =	ssyncset.done $0x0  }
0x1c: {  	s26 =	simm.s32 $0x1B8E;
	s25 =	sld [smem:$0x3FFE];
	[sflag:s24] =	ssyncadd.s32 $0xFFFFFFFF  }
0x1d: {  	s27 =	simm.s32 $execute0_lowered;
	[smem:$0x3FD2] =	sst s26  }
0x1e: {  	s5 =	sshll.u32 s27, $0x1;
	_ =	strace $0x80000046;
	[dreg:$0x1] =	wrdreg $0xFFFFFFFF  }
0x1f: {  	s28 =	simm.s32 $_size_execute0_lowered;
	s3 =	sadd.s32 s3, s5;
	[dreg:$0x0] =	wrdreg $0x0  }
0x20: {  	s5 =	sshll.u32 s28, $0x1;
	[dreg:$0x2] =	wrdreg s3  }
0x21: {  	[dreg:$0x3] =	wrdreg s5  }
0x22: {  	[dreg:$0x4] =	wrdreg $0xC0  }
0x23: {  	_ =	task [dreg:s7], $0x5FFFF  }
0x24: {  	[dreg:$0x1] =	wrdreg $0xFFFFFFFF  }
0x25: {  	[dreg:$0x0] =	wrdreg $0x60  }
0x26: {  	[dreg:$0x2] =	wrdreg s25  }
0x27: {  	[dreg:$0x3] =	wrdreg s2  }
0x28: {  	[dreg:$0x4] =	wrdreg $0x9  }
0x29: {  	_ =	task.clear_ibuf [dreg:s7], $0x5FFFF;
	_ =	strace $0x90000046  }
0x2a: {  	s29 =	simm.s32 $0x9;
	_ =	strace $0x80000048  }
0x2b: {  	_ =	swait.ge [sflag:s29], $0x1  }
0x2c: {  	[sflag:s29] =	ssyncadd.s32 $0xFFFFFFFF  }
0x2d: {  	_ =	strace $0x90000048  }
0x2e: {  	_ =	sfence  }
0x2f: {  	s30 =	sld [smem:$0x0];
	_ =	sdelay $0x2  }
0x30: {  	s31 =	sshll.u32 s1, $0xD;
	s1 =	sshrl.u32 s1, $0x2  }
0x31: {  	s3 =	sand.u32 $0x4000, s31;
	s1 =	sadd.s32 s1, s30  }
0x32: {  	s0 =	sor.u32 s3, s0;
	s1 =	sshll.u32 s1, $0x11  }
0x33: {  	s0 =	sor.u32 s1, s0  }
0x34: {  	s0 =	sadd.s32 $0x8F2B, s0  }
0x35: {  	[sflag:s0] =	ssyncadd.remote.s32 $0x1  }
0x36: {  	_ =	sfence.sel $0xFFFF  }
0x37: {  	[dreg:$0x0] =	wrdreg $0xFFFFFFFF;
	(pc) =	sbr.abs _section_cstart, $3  }
0x38: {  	[dreg:$0x1] =	wrdreg $0xFFFFFFFF  }
0x39: {  	_ =	task.clear_ibuf [dreg:s7], $0x2FFFF;
	_ =	strace $0x9FFFFFFF  }
0x3a: {  	(tm) =	ssettm $0x7FFFFFFF  }
0x3b: {  	_ =	shalt  }
tec
execute0_lowered:
.L_overlay_start_1:
0x0: {  	(tag) =	ssettag $0x1  }
0x1: {  	s4 =	rddreg [dreg:$0x0]  }
0x2: {  	s0 =	stileid.u32;
	s2 =	rddreg [dreg:$0x1]  }
0x3: {  	s1 =	rddreg [dreg:$0x2];
	_ =	strace $0x80000047;
	s5 =	srdreg.scid  }
0x4: {  	s31 =	simm.s32 $0x2;
	s14 =	simm.s32 $0x0;
	s9 =	simm.s32 $0x10000  }
0x5: {  	s16 =	simm.s32 $0x0;
	s15 =	simm.s32 $0x0;
	s3 =	sshll.u32 s0, $0x7  }
0x6: {  	s10 =	simm.s32 $0x0;
	s5 =	sshll.u32 s5, $0x4;
	s3 =	sand.u32 $0x380, s3  }
0x7: {  	s13 =	simm.s32 $0x0;
	s5 =	sand.u32 $0x10, s5;
	s6 =	ssub.s32 $0x400, s3  }
0x8: {  	s4 =	sadd.s32 $0x1600, s4;
	s5 =	sor.u32 s0, s5;
	s7 =	sand.u32 $0x380, s6  }
.Ltmp0:
0x9: {  	p0 =	sne.s32 s7, $0x0;
	s7 =	simm.s32 $0x1;
	(pc) =	sbr.rel .LBB1_1-.Ltmp0, $4  }
0xa: {  	s12 =	smov.u32 s3;
	s8 =	sshrl.u32 s6, $0xA;
	s7 =	simm.s32 @!p0 $0x0  }
0xb: {  	s5 =	sshrl.u32 s5, $0x3;
	s6 =	simm.s32 $0x1;
	s7 =	sadd.s32 s7, s8  }
0xc: {  	[sflag:s6] =	ssyncpa.u1 $0x0;
	s11 =	smov.u32 s5;
	s7 =	sshll.u32 s7, $0x7  }
0xd: {  	[sflag:s31] =	ssyncpa.u1 $0x0;
	p0 =	por $0x0, $0x0;
	s8 =	sor.u32 $0x1, s7  }
.LBB1_4:
0xe: {  	v5 =	vld [tilespmem:s20+$0xFFFFFFD0];
	[tilespmem:s19+$0x2040 ss:$0x81] =	vst.msk $0xffff, v1  }
0xf: {  	v58 =	vld [tilespmem:s20+$0xFFFFFFE0];
	[tilespmem:s19+$0x2850 ss:$0x81] =	vst.msk $0xffff, v2  }
0x10: {  	s21 =	sshra.s32 s21, $0x2;
	v59 =	vld [tilespmem:s20+$0xFFFFFFF0];
	[tilespmem:s19+$0x3060 ss:$0x81] =	vst.msk $0xffff, v3  }
0x11: {  	v60 =	vld [tilespmem:s20+$0x0];
	[tilespmem:s19+$0x0 ss:$0x81] =	vst.msk $0xffff, v0;
	s18 =	sadd.s32 s21, s18  }
0x12: {  	v61 =	vld [tilespmem:s20+$0x10];
	[tilespmem:s18+$0x3870 ss:$0x81] =	vst.msk $0xffff, v4  }
0x13: {  	v62 =	vld [tilespmem:s20+$0x20];
	s26 =	sshll.u32 s16, $0xA;
	s27 =	sshll.u32 s15, $0x3;
	[tilespmem:s18+$0x810 ss:$0x81] =	vst.msk $0xffff, v5  }
0x14: {  	v63 =	vld [tilespmem:s20+$0xFFFFFFC0];
	s29 =	sshll.u32 s16, $0x7;
	s30 =	sand.u32 $0x78, s15;
	s14 =	sshll.u32 s14, $0xD;
	[tilespmem:s18+$0x1020 ss:$0x81] =	vst.msk $0xffff, v58  }
0x15: {  	s19 =	sand.u32 $0xE000, s26;
	s28 =	sand.u32 $0xFC00, s27;
	s16 =	sand.u32 $0x380, s29;
	[tilespmem:s18+$0x1830 ss:$0x81] =	vst.msk $0xffff, v59  }
0x16: {  	s31 =	sand.u32 $0x7, s15;
	s19 =	sadd.s32 s28, s19;
	s16 =	sor.u32 s30, s16;
	[tilespmem:s18+$0x2040 ss:$0x81] =	vst.msk $0xffff, v60  }
0x17: {  	s14 =	sadd.s32 s2, s14;
	s19 =	sshrl.u32 s19, $0x3;
	s16 =	sshrl.u32 s16, $0x3;
	[tilespmem:s18+$0x2850 ss:$0x81] =	vst.msk $0xffff, v61  }
0x18: {  	s15 =	sshll.u32 s31, $0x12;
	s19 =	sand.u32 $0x1F80, s19;
	s14 =	sadd.s32 s16, s14;
	[tilespmem:s18+$0x3060 ss:$0x81] =	vst.msk $0xffff, v62  }
0x19: {  	s15 =	sor.u32 $0x80, s15;
	[tilespmem:s18+$0x0 ss:$0x81] =	vst.msk $0xffff, v63;
	s14 =	sadd.s32 s19, s14  }
0x1a: {  	[hbm4b:s14+s15] =	stream.strided.scatter [tilespmem:s17], [sflag:$0x2], $0x4000, s9, s15, $0x20;
	[tilespmem:$0x10100] =	vst v63  }
.LBB1_5:
0x1b: {  	s17 =	sadd.s32 $0x80, s10  }
0x1c: {  	s14 =	sadd.s32 $0x4, s11;
	s18 =	smov.u32 s11;
	p2 =	sgt.s32 s17, $0x3FF  }
0x1d: {  	s18 =	smov.u32 @p2 s14  }
0x1e: {  	s20 =	smov.u32 s12;
	s14 =	sadd.s32 $0x400, s12;
	p3 =	sgt.s32 s18, $0x3F  }
0x1f: {  	s20 =	smov.u32 @p3 s14  }
0x20: {  	s17 =	simm.s32 @p2 $0x0;
	p2 =	sgt.s32 s20, $0x3FF  }
0x21: {  	p1 =	slt.u32 s13, $0x2;
	s20 =	smov.u32 @p2 s3;
	p2 =	sne.s32 s13, s8  }
.Ltmp1:
0x22: {  	s19 =	simm.s32 @!p1 $0x2;
	(pc) =	sbr.rel @!p2 .LBB1_6-.Ltmp1, $4  }
0x23: {  	s16 =	smov.u32 s11;
	s15 =	smov.u32 s12;
	_ =	swait.ge @!p1 [sflag:s19], $0x4000  }
0x24: {  	p0 =	por !p0, !p0;
	[sflag:s19] =	ssyncset.done @!p1 $0x0;
	s18 =	smov.u32 @p3 s5  }
0x25: {  	s14 =	smov.u32 s10;
	[sflag:s19] =	ssyncadd.s32 @!p1 $0xFFFFC000;
	s10 =	smov.u32 s17  }
0x26: {  	s11 =	smov.u32 s18;
	s13 =	sadd.s32 $0x1, s13;
	s12 =	smov.u32 s20  }
.LBB1_1:
0x27: {  	p1 =	sge.u32 s13, s7  }
0x28: {  	s31 =	sadd.s32 $0xFFFFFFFF, s13;
	s17 =	sshll.u32 @!p1 s11, $0x7  }
0x29: {  	s18 =	sxor.u32 @!p1 $0xFFFFFFFF, s13;
	s19 =	sand.u32 @!p1 $0x78, s10;
	s20 =	sand.u32 @!p1 $0x380, s17  }
0x2a: {  	s18 =	sshll.u32 @!p1 s18, $0xE;
	s19 =	sor.u32 @!p1 s19, s20;
	s20 =	sshll.u32 @!p1 s12, $0xD  }
0x2b: {  	s17 =	sand.u32 @!p1 $0x1C00, s17;
	s19 =	sshrl.u32 @!p1 s19, $0x3;
	s20 =	sadd.s32 @!p1 s4, s20  }
0x2c: {  	s17 =	sadd.s32 @!p1 s10, s17;
	s19 =	sadd.s32 @!p1 s19, s20;
	s20 =	sand.u32 @!p1 $0x7, s10  }
0x2d: {  	s18 =	sand.u32 @!p1 $0x4000, s18;
	s17 =	sand.u32 @!p1 $0x1F80, s17;
	s20 =	sshll.u32 @!p1 s20, $0x12  }
0x2e: {  	s17 =	sadd.s32 @!p1 s17, s19;
	s19 =	sor.u32 @!p1 $0x80, s20;
	s20 =	simm.s32 @!p1 $0x10000  }
0x2f: {  	[tilespmem:s18], [sflag:$0x1] =	stream.strided.gather @!p1 [hbm4b:s17+s19], $0x4000, s20, s19, $0x38;
	[tilespmem:$0x10100] =	vst v63  }
0x30: {  	p1 =	sge.u32 s31, s7  }
.Ltmp2:
0x31: {  	_ = 	snop;
	(pc) =	sbr.rel @p1 .LBB1_5-.Ltmp2, $1  }
0x32: {  	_ =	sdelay $0x3  }
0x33: {  	s17 =	simm.s32 $0x1  }
0x34: {  	_ =	swait.ge [sflag:s6], $0x4000;
	s17 =	simm.s32 @!p0 $0x0  }
0x35: {  	[sflag:s6] =	ssyncset.done $0x0;
	s18 =	sshll.u32 s17, $0xE  }
0x36: {  	[sflag:s6] =	ssyncadd.s32 $0xFFFFC000;
	s20 =	sor.u32 $0x40, s18  }
0x37: {  	s17 =	smul.u32 $0x10200, s17;
	v0 =	vld [tilespmem:s20+$0x30]  }
0x38: {  	v3 =	vld [tilespmem:s20+$0xFFFFFFD0]  }
0x39: {  	s17 =	sshrl.u32 s17, $0x2;
	v4 =	vld [tilespmem:s20+$0xFFFFFFE0]  }
0x3a: {  	v5 =	vld [tilespmem:s20+$0xFFFFFFF0];
	s18 =	sor.u32 $0x8000, s17  }
0x3b: {  	s31 =	sand.u32 $0x1, s13;
	v1 =	vld [tilespmem:s20+$0x0];
	s19 =	sadd.s32 $0x0, s18  }
0x3c: {  	v2 =	vld [tilespmem:s20+$0x10];
	s17 =	smul.u32 $0x10200, s31;
	[tilespmem:s19+$0x3870 ss:$0x81] =	vst.msk $0xffff, v0  }
0x3d: {  	[tilespmem:s19+$0x810 ss:$0x81] =	vst.msk $0xffff, v3;
	v3 =	vld [tilespmem:s20+$0x20]  }
0x3e: {  	s17 =	sshrl.u32 s17, $0x2;
	v0 =	vld [tilespmem:s20+$0xFFFFFFC0];
	[tilespmem:s19+$0x1020 ss:$0x81] =	vst.msk $0xffff, v4;
	s20 =	sadd.s32 $0x80, s20  }
0x3f: {  	s21 =	simm.s32 $0x4;
	s22 =	simm.s32 $0x8;
	s17 =	sor.u32 $0x8000, s17;
	[tilespmem:s19+$0x1830 ss:$0x81] =	vst.msk $0xffff, v5;
	v4 =	vld [tilespmem:s20+$0x30]  }
.LBB1_3:
0x40: {  	p1 =	sne.s32 s22, $0x1FC;
	v5 =	vld [tilespmem:s20+$0xFFFFFFD0];
	[tilespmem:s19+$0x2040 ss:$0x81] =	vst.msk $0xffff, v1  }
0x41: {  	v6 =	vld [tilespmem:s20+$0xFFFFFFE0];
	[tilespmem:s19+$0x2850 ss:$0x81] =	vst.msk $0xffff, v2  }
0x42: {  	s23 =	sshra.s32 s21, $0x2;
	s21 =	smov.u32 s22;
	v7 =	vld [tilespmem:s20+$0xFFFFFFF0];
	[tilespmem:s19+$0x3060 ss:$0x81] =	vst.msk $0xffff, v3  }
.Ltmp3:
0x43: {  	v1 =	vld [tilespmem:s20+$0x0];
	[tilespmem:s19+$0x0 ss:$0x81] =	vst.msk $0xffff, v0;
	s19 =	sadd.s32 s23, s18;
	(pc) =	sbr.rel @p1 .LBB1_3-.Ltmp3, $4  }
0x44: {  	v2 =	vld [tilespmem:s20+$0x10];
	[tilespmem:s19+$0x3870 ss:$0x81] =	vst.msk $0xffff, v4  }
0x45: {  	[tilespmem:s19+$0x810 ss:$0x81] =	vst.msk $0xffff, v5;
	v3 =	vld [tilespmem:s20+$0x20]  }
0x46: {  	v0 =	vld [tilespmem:s20+$0xFFFFFFC0];
	[tilespmem:s19+$0x1020 ss:$0x81] =	vst.msk $0xffff, v6;
	s20 =	sadd.s32 $0x80, s20  }
0x47: {  	s22 =	sadd.s32 $0x4, s22;
	v4 =	vld [tilespmem:s20+$0x30];
	[tilespmem:s19+$0x1830 ss:$0x81] =	vst.msk $0xffff, v7  }
.Ltmp4:
0x48: {  	_ = 	snop;
	(pc) =	sbr.rel .LBB1_4-.Ltmp4, $1  }
0x49: {  	_ =	sdelay $0x3  }
.LBB1_6:
0x4a: {  	_ =	sfence.sel $0x180000  }
0x4b: {  	s2 =	simm.s32 $0x1;
	[bflag:$0x0] =	sbarrier.arrive $0xFFFF  }
0x4c: {  	s31 =	simm.s32 $0x2;
	[sflag:s2] =	ssyncpa.u1 $0x1  }
0x4d: {  	[sflag:s31] =	ssyncpa.u1 $0x1  }
0x4e: {  	p0 =	sne.s32 s0, $0x0;
	_ =	strace $0x90000047  }
0x4f: {  	s0 =	sadd.s32 @!p0 $0x100000, s1;
	[bflag:$0x2] =	sbarrier.arrive $0xFFFF  }
0x50: {  	[sflag:s0] =	ssyncadd.tile.s32 @!p0 $0x1;
	_ =	shalt  }
.Lfunc_end1:
_tile_overlayer_lowered:
.L_overlay_start_2:
0x51: {  	(tag) =	ssettag $0x2  }
0x52: {  	s0 =	rddreg [dreg:$0x0];
	s2 =	stileid.u32  }
0x53: {  	s1 =	rddreg [dreg:$0x1];
	p0 =	sne.s32 s2, $0x0  }
0x54: {  	s3 =	rddreg [dreg:$0x2];
	[bflag:$0x3] =	sbarrier.arrive $0xFFFF;
	s2 =	simm.s32 @!p0 $0x1C01  }
0x55: {  	[timem:s3], [sflag:s2] =	dma.local @!p0 [hbm:s0], s1  }
0x56: {  	s0 =	simm.s32 @!p0 $0x1  }
0x57: {  	_ =	swait.ge @!p0 [sflag:s0], s1  }
0x58: {  	s1 =	ssub.s32 @!p0 $0x0, s1;
	[sflag:s0] =	ssyncset.done @!p0 $0x0  }
0x59: {  	[sflag:s0] =	ssyncadd.s32 @!p0 s1  }
0x5a: {  	[bflag:$0x3] =	sbarrier.arrive $0xFFFF  }
0x5b: {  	_ =	shalt  }

</sc_bundles>
